<compile_context>
chip_gen: v7x
topology: tpu7x:2x2x1
jax: 0.10.2.dev20260603
libtpu: 0.0.44.dev20260713+nightly
codegen_flags: <defaults>
</compile_context>

<pallas_src>
import functools

import jax
import jax.numpy as jnp
from jax import lax
from jax.experimental import pallas as pl
from jax.experimental.pallas import tpu as pltpu
from jax.experimental.pallas import tpu_sc as plsc

B = 4096
L = 50
EMB = 64
NUM_SENS = 2
VOCAB = 1000000

NC = 2
NS = 16
NW = NC * NS
IPW = B * L // NW
TILE = 128
TPW = IPW // TILE

PROJ_R = 32768
PROJ_STEPS = -(-VOCAB // PROJ_R)

_sc_mesh = plsc.VectorSubcoreMesh(core_axis_name="c", subcore_axis_name="s")



def _proj_body(wt_ref, lin_w_ref, idxt_ref, d_ref, idx_out_ref):
    dw = (lin_w_ref[1, :] - lin_w_ref[0, :]).reshape(1, EMB)
    res = lax.dot_general(
        dw, wt_ref[...],
        (((1,), (0,)), ((), ())),
        preferred_element_type=jnp.float32,
    )
    d_ref[...] = res.reshape(d_ref.shape)

    @pl.when(pl.program_id(0) == 0)
    def _():
        for k in range(B // TILE):
            idx_out_ref[:, k, :] = idxt_ref[:, k * TILE:(k + 1) * TILE]


_proj = pl.pallas_call(
    _proj_body,
    grid=(PROJ_STEPS,),
    in_specs=[
        pl.BlockSpec((EMB, PROJ_R), lambda i: (0, i)),
        pl.BlockSpec((NUM_SENS, EMB), lambda i: (0, 0)),
        pl.BlockSpec((L, B), lambda i: (0, 0)),
    ],
    out_specs=(
        pl.BlockSpec((PROJ_R,), lambda i: (i,)),
        pl.BlockSpec((L, B // TILE, TILE), lambda i: (0, 0, 0)),
    ),
    out_shape=(
        jax.ShapeDtypeStruct((VOCAB,), jnp.float32),
        jax.ShapeDtypeStruct((L, B // TILE, TILE), jnp.int32),
    ),
)



RPW = B // NW
NGRP = RPW // 16


def _make_gather_body(wid_fn):
    def _gather_body(idx_hbm, d_hbm, out_hbm, idx_v, g_v, acc_v, sem):
        wid = wid_fn()
        pltpu.sync_copy(idx_hbm.at[:, wid, :], idx_v)

        def stream_chunk(c, carry):
            t0 = c * 10
            for u in range(10):
                pltpu.async_copy(
                    d_hbm.at[idx_v.at[t0 + u]],
                    g_v.at[t0 + u],
                    sem,
                )
            return carry

        lax.fori_loop(0, L // 10, stream_chunk, 0)
        for _ in range(L):
            pltpu.make_async_copy(
                d_hbm.at[pl.ds(0, TILE)], g_v.at[0], sem
            ).wait()

        def acc_j(j, accs):
            return tuple(
                accs[g] + g_v[j, pl.ds(g * 16, 16)]
                for g in range(NGRP)
            )

        zero = tuple(jnp.zeros((16,), jnp.float32) for _ in range(NGRP))
        accs = lax.fori_loop(0, L, acc_j, zero)
        for g in range(NGRP):
            acc_v[pl.ds(g * 16, 16)] = accs[g]
        pltpu.sync_copy(acc_v, out_hbm.at[pl.ds(wid * RPW, RPW)])

    return _gather_body


def _mesh_wid():
    return lax.axis_index("s") * NC + lax.axis_index("c")


_gm_scratch = [
    pltpu.VMEM((L, TILE), jnp.int32),
    pltpu.VMEM((L, TILE), jnp.float32),
    pltpu.VMEM((RPW,), jnp.float32),
    pltpu.SemaphoreType.DMA,
]

_gather = functools.partial(
    pl.kernel,
    mesh=_sc_mesh,
    out_type=jax.ShapeDtypeStruct((B,), jnp.float32),
    scratch_types=_gm_scratch,
    compiler_params=pltpu.CompilerParams(
        use_tc_tiling_on_sc=False, needs_layout_passes=False
    ),
)(_make_gather_body(_mesh_wid))



def _post_body(d_ref, lin_b_ref, s_emb_ref, rt_ref, apt_ref):
    d = d_ref[...] * (1.0 / L) + (lin_b_ref[0, 1] - lin_b_ref[0, 0])
    p1 = 1.0 / (1.0 + jnp.exp(-d))
    p0 = 1.0 - p1
    apt = jnp.concatenate([p0, p1], axis=0)
    apt_ref[...] = apt
    rt_ref[...] = lax.dot_general(
        s_emb_ref[...], apt,
        (((0,), (0,)), ((), ())),
        preferred_element_type=jnp.float32,
    )


_post = pl.pallas_call(
    _post_body,
    out_shape=(
        jax.ShapeDtypeStruct((EMB, B), jnp.float32),
        jax.ShapeDtypeStruct((NUM_SENS, B), jnp.float32),
    ),
)


@jax.jit
def kernel(inputs, asp_probs, W, lin_w, lin_b, s_emb):
    idxt = inputs.astype(jnp.int32).T
    d_table, idx3 = _proj(W.T, lin_w, idxt)
    d_sum = _gather(idx3, d_table).reshape(1, B)
    rt, apt = _post(d_sum, lin_b.reshape(1, NUM_SENS), s_emb)
    return (rt.T, apt.T)

# --- scband reference (transcript-rebuilt; emitter-appended) ---
"""Pipeline reference for scband-sentiment-autoencoder-47270410060303 (READ-ONLY COPY).

The authoritative reference and input builder live on the scoring server;
editing this copy changes nothing except your own understanding.
"""

import jax, jax.numpy as jnp
import numpy as np

VOCAB = 1000000
EMB = 64
B = 4096
L = 50
NUM_ASPS = 5
NUM_SENS = 2


def setup_inputs(seed: int = 0) -> dict:
    key = jax.random.key(seed)
    k1, k2, k3, k4, k5 = jax.random.split(key, 5)
    inputs = jax.random.randint(k1, (B, L), 0, VOCAB)
    asp_probs = jax.random.uniform(k2, (B, NUM_ASPS), dtype=jnp.float32)
    # learned parameters
    W = jax.random.normal(k3, (VOCAB, EMB), dtype=jnp.float32) * 0.02      # EmbeddingBag weight
    lin_w = jax.random.normal(k4, (NUM_SENS, EMB), dtype=jnp.float32) * 0.02  # nn.Linear weight
    lin_b = jnp.zeros((NUM_SENS,), dtype=jnp.float32)                      # nn.Linear bias
    s_emb = jax.random.normal(k5, (NUM_SENS, EMB), dtype=jnp.float32) * 0.02  # sentiment embeddings
    return {"inputs": inputs, "asp_probs": asp_probs, "W": W, "lin_w": lin_w, "lin_b": lin_b, "s_emb": s_emb}


def reference(inputs, asp_probs, W, lin_w, lin_b, s_emb):
    # eval-mode forward, attention=False, recon_method='centr'
    # EmbeddingBag(inputs.view(-1), offsets) with default mode='mean' over each
    # fixed-length bag of size L == mean-pooled embedding lookup per row.
    x_wrd = jnp.take(W, inputs, axis=0)           # [B, L, EMB] gather
    enc = x_wrd.mean(axis=1)                      # [B, EMB]
    x = enc @ lin_w.T + lin_b                     # [B, NUM_SENS]
    a_probs = jax.nn.softmax(x, axis=1)           # [B, NUM_SENS]
    # as_probs = bmm(asp_probs.unsqueeze(2), a_probs.unsqueeze(1)).view(-1, A*S)
    as_probs = (asp_probs[:, :, None] * a_probs[:, None, :]).reshape(-1, NUM_ASPS * NUM_SENS)
    # recon_method == 'centr'
    r = a_probs @ s_emb                           # [B, EMB]
    return (r, a_probs)

if __name__ == "__main__":
    import jax
    _d = setup_inputs()
    print(jax.jit(kernel)(*tuple(_d.values())))

</pallas_src>

<mosaic_0001>
#map = affine_map<(d0, d1) -> (0, 0, 0)>
#map1 = affine_map<(d0, d1) -> (0)>
module attributes {stable_mosaic.version = 14 : i64} {
  func.func @_gather_body(%arg0: i32, %arg1: i32, %arg2: memref<50x32x128xi32, #tpu.memory_space<hbm>>, %arg3: memref<1000000xf32, #tpu.memory_space<hbm>>, %arg4: memref<4096xf32, #tpu.memory_space<hbm>>, %arg5: memref<50x128xi32, #tpu.memory_space<vmem>>, %arg6: memref<50x128xf32, #tpu.memory_space<vmem>>, %arg7: memref<128xf32, #tpu.memory_space<vmem>>, %arg8: memref<!tpu.dma_semaphore, #tpu.memory_space<semaphore_mem>>) attributes {dimension_semantics = [#tpu.dimension_semantics<core_parallel>, #tpu.dimension_semantics<subcore_parallel>], iteration_bounds = array<i64: 2, 16>, scalar_prefetch = 0 : i64, scratch_operands = 4 : i64, tpu.core_type = #tpu.core_type<sc_vector_subcore>, window_params = [{transform_indices = #map}, {transform_indices = #map1}, {transform_indices = #map1}]} {
    %mul3A = arith.constant 2 : i32
    %mul3A_0 = arith.muli %arg1, %mul3A : i32
    %add3A = arith.addi %mul3A_0, %arg0 : i32
    "tpu.region"() ({
      %run_scoped3A = tpu.sem_alloc : memref<!tpu.dma_semaphore, #tpu.memory_space<semaphore_mem>>
      %dma_start3A = arith.constant 0 : i32
      %dma_start3A_593 = arith.constant 0 : i32
      %dma_start3A_594 = tpu.memref_slice %arg2[%dma_start3A, %add3A, %dma_start3A_593] : memref<50x32x128xi32, #tpu.memory_space<hbm>> -> memref<50x1x128xi32, #tpu.memory_space<hbm>>
      %dma_start3A_595 = tpu.memref_squeeze %dma_start3A_594 : memref<50x1x128xi32, #tpu.memory_space<hbm>> -> memref<50x128xi32, #tpu.memory_space<hbm>>
      %dma_start3A_596 = arith.constant 0 : i32
      %dma_start3A_597 = arith.constant 0 : i32
      %dma_start3A_598 = tpu.memref_slice %arg2[%dma_start3A_596, %add3A, %dma_start3A_597] : memref<50x32x128xi32, #tpu.memory_space<hbm>> -> memref<50x1x128xi32, #tpu.memory_space<hbm>>
      %dma_start3A_599 = tpu.memref_squeeze %dma_start3A_598 : memref<50x1x128xi32, #tpu.memory_space<hbm>> -> memref<50x128xi32, #tpu.memory_space<hbm>>
      tpu.enqueue_dma source(%dma_start3A_599 : memref<50x128xi32, #tpu.memory_space<hbm>>) target(%arg5 : memref<50x128xi32, #tpu.memory_space<vmem>>) target_semaphore(%run_scoped3A : memref<!tpu.dma_semaphore, #tpu.memory_space<semaphore_mem>>)
      %dma_wait3A_600 = arith.constant 0 : i32
      %dma_wait3A_601 = arith.constant 0 : i32
      %dma_wait3A_602 = tpu.memref_slice %arg2[%dma_wait3A_600, %add3A, %dma_wait3A_601] : memref<50x32x128xi32, #tpu.memory_space<hbm>> -> memref<50x1x128xi32, #tpu.memory_space<hbm>>
      %dma_wait3A_603 = tpu.memref_squeeze %dma_wait3A_602 : memref<50x1x128xi32, #tpu.memory_space<hbm>> -> memref<50x128xi32, #tpu.memory_space<hbm>>
      %dma_wait3A_604 = arith.constant 0 : i32
      %dma_wait3A_605 = arith.constant 0 : i32
      %dma_wait3A_606 = tpu.memref_slice %arg2[%dma_wait3A_604, %add3A, %dma_wait3A_605] : memref<50x32x128xi32, #tpu.memory_space<hbm>> -> memref<50x1x128xi32, #tpu.memory_space<hbm>>
      %dma_wait3A_607 = tpu.memref_squeeze %dma_wait3A_606 : memref<50x1x128xi32, #tpu.memory_space<hbm>> -> memref<50x128xi32, #tpu.memory_space<hbm>>
      tpu.wait_dma2 semaphore(%run_scoped3A : memref<!tpu.dma_semaphore, #tpu.memory_space<semaphore_mem>>) src(%dma_wait3A_607 : memref<50x128xi32, #tpu.memory_space<hbm>>) dst(%arg5 : memref<50x128xi32, #tpu.memory_space<vmem>>)
      tpu.yield
    }) : () -> ()
    %scan3A = arith.constant 0 : i32
    %scan3A_1 = arith.constant 0 : i32
    %scan3A_2 = arith.constant 5 : i32
    %scan3A_3 = arith.addi %scan3A_1, %scan3A_2 : i32
    %scan3A_4 = arith.constant 1 : i32
    scf.for %scan3A_593 = %scan3A_1 to %scan3A_3 step %scan3A_4  : i32 {
      %mul3A_594 = arith.constant 10 : i32
      %mul3A_595 = arith.muli %scan3A_593, %mul3A_594 : i32
      %add3A_596 = arith.constant 0 : i32
      %add3A_597 = arith.addi %mul3A_595, %add3A_596 : i32
      %add3A_598 = arith.constant 0 : i32
      %add3A_599 = arith.addi %mul3A_595, %add3A_598 : i32
      %dma_start3A = arith.constant 0 : i32
      %dma_start3A_600 = tpu.memref_slice %arg6[%add3A_599, %dma_start3A] : memref<50x128xf32, #tpu.memory_space<vmem>> -> memref<1x128xf32, #tpu.memory_space<vmem>>
      %dma_start3A_601 = tpu.memref_squeeze %dma_start3A_600 : memref<1x128xf32, #tpu.memory_space<vmem>> -> memref<128xf32, #tpu.memory_space<vmem>>
      %dma_start3A_602 = arith.constant 0 : i32
      %dma_start3A_603 = tpu.memref_slice %arg5[%add3A_597, %dma_start3A_602] : memref<50x128xi32, #tpu.memory_space<vmem>> -> memref<1x128xi32, #tpu.memory_space<vmem>>
      %dma_start3A_604 = tpu.memref_squeeze %dma_start3A_603 : memref<1x128xi32, #tpu.memory_space<vmem>> -> memref<128xi32, #tpu.memory_space<vmem>>
      %dma_start3A_605 = arith.constant 0 : i32
      %dma_start3A_606 = tpu.memref_slice %arg3[%dma_start3A_605] : memref<1000000xf32, #tpu.memory_space<hbm>> -> memref<1000000xf32, #tpu.memory_space<hbm>>
      tpu.enqueue_indirect_dma source(%dma_start3A_606 : memref<1000000xf32, #tpu.memory_space<hbm>>) target(%dma_start3A_601 : memref<128xf32, #tpu.memory_space<vmem>>) offsets(%dma_start3A_604 : memref<128xi32, #tpu.memory_space<vmem>>) semaphore(%arg8 : memref<!tpu.dma_semaphore, #tpu.memory_space<semaphore_mem>>)
      %add3A_607 = arith.constant 1 : i32
      %add3A_608 = arith.addi %mul3A_595, %add3A_607 : i32
      %add3A_609 = arith.constant 1 : i32
      %add3A_610 = arith.addi %mul3A_595, %add3A_609 : i32
      %dma_start3A_611 = arith.constant 0 : i32
      %dma_start3A_612 = tpu.memref_slice %arg6[%add3A_610, %dma_start3A_611] : memref<50x128xf32, #tpu.memory_space<vmem>> -> memref<1x128xf32, #tpu.memory_space<vmem>>
      %dma_start3A_613 = tpu.memref_squeeze %dma_start3A_612 : memref<1x128xf32, #tpu.memory_space<vmem>> -> memref<128xf32, #tpu.memory_space<vmem>>
      %dma_start3A_614 = arith.constant 0 : i32
      %dma_start3A_615 = tpu.memref_slice %arg5[%add3A_608, %dma_start3A_614] : memref<50x128xi32, #tpu.memory_space<vmem>> -> memref<1x128xi32, #tpu.memory_space<vmem>>
      %dma_start3A_616 = tpu.memref_squeeze %dma_start3A_615 : memref<1x128xi32, #tpu.memory_space<vmem>> -> memref<128xi32, #tpu.memory_space<vmem>>
      %dma_start3A_617 = arith.constant 0 : i32
      %dma_start3A_618 = tpu.memref_slice %arg3[%dma_start3A_617] : memref<1000000xf32, #tpu.memory_space<hbm>> -> memref<1000000xf32, #tpu.memory_space<hbm>>
      tpu.enqueue_indirect_dma source(%dma_start3A_618 : memref<1000000xf32, #tpu.memory_space<hbm>>) target(%dma_start3A_613 : memref<128xf32, #tpu.memory_space<vmem>>) offsets(%dma_start3A_616 : memref<128xi32, #tpu.memory_space<vmem>>) semaphore(%arg8 : memref<!tpu.dma_semaphore, #tpu.memory_space<semaphore_mem>>)
      %add3A_619 = arith.constant 2 : i32
      %add3A_620 = arith.addi %mul3A_595, %add3A_619 : i32
      %add3A_621 = arith.constant 2 : i32
      %add3A_622 = arith.addi %mul3A_595, %add3A_621 : i32
      %dma_start3A_623 = arith.constant 0 : i32
      %dma_start3A_624 = tpu.memref_slice %arg6[%add3A_622, %dma_start3A_623] : memref<50x128xf32, #tpu.memory_space<vmem>> -> memref<1x128xf32, #tpu.memory_space<vmem>>
      %dma_start3A_625 = tpu.memref_squeeze %dma_start3A_624 : memref<1x128xf32, #tpu.memory_space<vmem>> -> memref<128xf32, #tpu.memory_space<vmem>>
      %dma_start3A_626 = arith.constant 0 : i32
      %dma_start3A_627 = tpu.memref_slice %arg5[%add3A_620, %dma_start3A_626] : memref<50x128xi32, #tpu.memory_space<vmem>> -> memref<1x128xi32, #tpu.memory_space<vmem>>
      %dma_start3A_628 = tpu.memref_squeeze %dma_start3A_627 : memref<1x128xi32, #tpu.memory_space<vmem>> -> memref<128xi32, #tpu.memory_space<vmem>>
      %dma_start3A_629 = arith.constant 0 : i32
      %dma_start3A_630 = tpu.memref_slice %arg3[%dma_start3A_629] : memref<1000000xf32, #tpu.memory_space<hbm>> -> memref<1000000xf32, #tpu.memory_space<hbm>>
      tpu.enqueue_indirect_dma source(%dma_start3A_630 : memref<1000000xf32, #tpu.memory_space<hbm>>) target(%dma_start3A_625 : memref<128xf32, #tpu.memory_space<vmem>>) offsets(%dma_start3A_628 : memref<128xi32, #tpu.memory_space<vmem>>) semaphore(%arg8 : memref<!tpu.dma_semaphore, #tpu.memory_space<semaphore_mem>>)
      %add3A_631 = arith.constant 3 : i32
      %add3A_632 = arith.addi %mul3A_595, %add3A_631 : i32
      %add3A_633 = arith.constant 3 : i32
      %add3A_634 = arith.addi %mul3A_595, %add3A_633 : i32
      %dma_start3A_635 = arith.constant 0 : i32
      %dma_start3A_636 = tpu.memref_slice %arg6[%add3A_634, %dma_start3A_635] : memref<50x128xf32, #tpu.memory_space<vmem>> -> memref<1x128xf32, #tpu.memory_space<vmem>>
      %dma_start3A_637 = tpu.memref_squeeze %dma_start3A_636 : memref<1x128xf32, #tpu.memory_space<vmem>> -> memref<128xf32, #tpu.memory_space<vmem>>
      %dma_start3A_638 = arith.constant 0 : i32
      %dma_start3A_639 = tpu.memref_slice %arg5[%add3A_632, %dma_start3A_638] : memref<50x128xi32, #tpu.memory_space<vmem>> -> memref<1x128xi32, #tpu.memory_space<vmem>>
      %dma_start3A_640 = tpu.memref_squeeze %dma_start3A_639 : memref<1x128xi32, #tpu.memory_space<vmem>> -> memref<128xi32, #tpu.memory_space<vmem>>
      %dma_start3A_641 = arith.constant 0 : i32
      %dma_start3A_642 = tpu.memref_slice %arg3[%dma_start3A_641] : memref<1000000xf32, #tpu.memory_space<hbm>> -> memref<1000000xf32, #tpu.memory_space<hbm>>
      tpu.enqueue_indirect_dma source(%dma_start3A_642 : memref<1000000xf32, #tpu.memory_space<hbm>>) target(%dma_start3A_637 : memref<128xf32, #tpu.memory_space<vmem>>) offsets(%dma_start3A_640 : memref<128xi32, #tpu.memory_space<vmem>>) semaphore(%arg8 : memref<!tpu.dma_semaphore, #tpu.memory_space<semaphore_mem>>)
      %add3A_643 = arith.constant 4 : i32
      %add3A_644 = arith.addi %mul3A_595, %add3A_643 : i32
      %add3A_645 = arith.constant 4 : i32
      %add3A_646 = arith.addi %mul3A_595, %add3A_645 : i32
      %dma_start3A_647 = arith.constant 0 : i32
      %dma_start3A_648 = tpu.memref_slice %arg6[%add3A_646, %dma_start3A_647] : memref<50x128xf32, #tpu.memory_space<vmem>> -> memref<1x128xf32, #tpu.memory_space<vmem>>
      %dma_start3A_649 = tpu.memref_squeeze %dma_start3A_648 : memref<1x128xf32, #tpu.memory_space<vmem>> -> memref<128xf32, #tpu.memory_space<vmem>>
      %dma_start3A_650 = arith.constant 0 : i32
      %dma_start3A_651 = tpu.memref_slice %arg5[%add3A_644, %dma_start3A_650] : memref<50x128xi32, #tpu.memory_space<vmem>> -> memref<1x128xi32, #tpu.memory_space<vmem>>
      %dma_start3A_652 = tpu.memref_squeeze %dma_start3A_651 : memref<1x128xi32, #tpu.memory_space<vmem>> -> memref<128xi32, #tpu.memory_space<vmem>>
      %dma_start3A_653 = arith.constant 0 : i32
      %dma_start3A_654 = tpu.memref_slice %arg3[%dma_start3A_653] : memref<1000000xf32, #tpu.memory_space<hbm>> -> memref<1000000xf32, #tpu.memory_space<hbm>>
      tpu.enqueue_indirect_dma source(%dma_start3A_654 : memref<1000000xf32, #tpu.memory_space<hbm>>) target(%dma_start3A_649 : memref<128xf32, #tpu.memory_space<vmem>>) offsets(%dma_start3A_652 : memref<128xi32, #tpu.memory_space<vmem>>) semaphore(%arg8 : memref<!tpu.dma_semaphore, #tpu.memory_space<semaphore_mem>>)
      %add3A_655 = arith.constant 5 : i32
      %add3A_656 = arith.addi %mul3A_595, %add3A_655 : i32
      %add3A_657 = arith.constant 5 : i32
      %add3A_658 = arith.addi %mul3A_595, %add3A_657 : i32
      %dma_start3A_659 = arith.constant 0 : i32
      %dma_start3A_660 = tpu.memref_slice %arg6[%add3A_658, %dma_start3A_659] : memref<50x128xf32, #tpu.memory_space<vmem>> -> memref<1x128xf32, #tpu.memory_space<vmem>>
      %dma_start3A_661 = tpu.memref_squeeze %dma_start3A_660 : memref<1x128xf32, #tpu.memory_space<vmem>> -> memref<128xf32, #tpu.memory_space<vmem>>
      %dma_start3A_662 = arith.constant 0 : i32
      %dma_start3A_663 = tpu.memref_slice %arg5[%add3A_656, %dma_start3A_662] : memref<50x128xi32, #tpu.memory_space<vmem>> -> memref<1x128xi32, #tpu.memory_space<vmem>>
      %dma_start3A_664 = tpu.memref_squeeze %dma_start3A_663 : memref<1x128xi32, #tpu.memory_space<vmem>> -> memref<128xi32, #tpu.memory_space<vmem>>
      %dma_start3A_665 = arith.constant 0 : i32
      %dma_start3A_666 = tpu.memref_slice %arg3[%dma_start3A_665] : memref<1000000xf32, #tpu.memory_space<hbm>> -> memref<1000000xf32, #tpu.memory_space<hbm>>
      tpu.enqueue_indirect_dma source(%dma_start3A_666 : memref<1000000xf32, #tpu.memory_space<hbm>>) target(%dma_start3A_661 : memref<128xf32, #tpu.memory_space<vmem>>) offsets(%dma_start3A_664 : memref<128xi32, #tpu.memory_space<vmem>>) semaphore(%arg8 : memref<!tpu.dma_semaphore, #tpu.memory_space<semaphore_mem>>)
      %add3A_667 = arith.constant 6 : i32
      %add3A_668 = arith.addi %mul3A_595, %add3A_667 : i32
      %add3A_669 = arith.constant 6 : i32
      %add3A_670 = arith.addi %mul3A_595, %add3A_669 : i32
      %dma_start3A_671 = arith.constant 0 : i32
      %dma_start3A_672 = tpu.memref_slice %arg6[%add3A_670, %dma_start3A_671] : memref<50x128xf32, #tpu.memory_space<vmem>> -> memref<1x128xf32, #tpu.memory_space<vmem>>
      %dma_start3A_673 = tpu.memref_squeeze %dma_start3A_672 : memref<1x128xf32, #tpu.memory_space<vmem>> -> memref<128xf32, #tpu.memory_space<vmem>>
      %dma_start3A_674 = arith.constant 0 : i32
      %dma_start3A_675 = tpu.memref_slice %arg5[%add3A_668, %dma_start3A_674] : memref<50x128xi32, #tpu.memory_space<vmem>> -> memref<1x128xi32, #tpu.memory_space<vmem>>
      %dma_start3A_676 = tpu.memref_squeeze %dma_start3A_675 : memref<1x128xi32, #tpu.memory_space<vmem>> -> memref<128xi32, #tpu.memory_space<vmem>>
      %dma_start3A_677 = arith.constant 0 : i32
      %dma_start3A_678 = tpu.memref_slice %arg3[%dma_start3A_677] : memref<1000000xf32, #tpu.memory_space<hbm>> -> memref<1000000xf32, #tpu.memory_space<hbm>>
      tpu.enqueue_indirect_dma source(%dma_start3A_678 : memref<1000000xf32, #tpu.memory_space<hbm>>) target(%dma_start3A_673 : memref<128xf32, #tpu.memory_space<vmem>>) offsets(%dma_start3A_676 : memref<128xi32, #tpu.memory_space<vmem>>) semaphore(%arg8 : memref<!tpu.dma_semaphore, #tpu.memory_space<semaphore_mem>>)
      %add3A_679 = arith.constant 7 : i32
      %add3A_680 = arith.addi %mul3A_595, %add3A_679 : i32
      %add3A_681 = arith.constant 7 : i32
      %add3A_682 = arith.addi %mul3A_595, %add3A_681 : i32
      %dma_start3A_683 = arith.constant 0 : i32
      %dma_start3A_684 = tpu.memref_slice %arg6[%add3A_682, %dma_start3A_683] : memref<50x128xf32, #tpu.memory_space<vmem>> -> memref<1x128xf32, #tpu.memory_space<vmem>>
      %dma_start3A_685 = tpu.memref_squeeze %dma_start3A_684 : memref<1x128xf32, #tpu.memory_space<vmem>> -> memref<128xf32, #tpu.memory_space<vmem>>
      %dma_start3A_686 = arith.constant 0 : i32
      %dma_start3A_687 = tpu.memref_slice %arg5[%add3A_680, %dma_start3A_686] : memref<50x128xi32, #tpu.memory_space<vmem>> -> memref<1x128xi32, #tpu.memory_space<vmem>>
      %dma_start3A_688 = tpu.memref_squeeze %dma_start3A_687 : memref<1x128xi32, #tpu.memory_space<vmem>> -> memref<128xi32, #tpu.memory_space<vmem>>
      %dma_start3A_689 = arith.constant 0 : i32
      %dma_start3A_690 = tpu.memref_slice %arg3[%dma_start3A_689] : memref<1000000xf32, #tpu.memory_space<hbm>> -> memref<1000000xf32, #tpu.memory_space<hbm>>
      tpu.enqueue_indirect_dma source(%dma_start3A_690 : memref<1000000xf32, #tpu.memory_space<hbm>>) target(%dma_start3A_685 : memref<128xf32, #tpu.memory_space<vmem>>) offsets(%dma_start3A_688 : memref<128xi32, #tpu.memory_space<vmem>>) semaphore(%arg8 : memref<!tpu.dma_semaphore, #tpu.memory_space<semaphore_mem>>)
      %add3A_691 = arith.constant 8 : i32
      %add3A_692 = arith.addi %mul3A_595, %add3A_691 : i32
      %add3A_693 = arith.constant 8 : i32
      %add3A_694 = arith.addi %mul3A_595, %add3A_693 : i32
      %dma_start3A_695 = arith.constant 0 : i32
      %dma_start3A_696 = tpu.memref_slice %arg6[%add3A_694, %dma_start3A_695] : memref<50x128xf32, #tpu.memory_space<vmem>> -> memref<1x128xf32, #tpu.memory_space<vmem>>
      %dma_start3A_697 = tpu.memref_squeeze %dma_start3A_696 : memref<1x128xf32, #tpu.memory_space<vmem>> -> memref<128xf32, #tpu.memory_space<vmem>>
      %dma_start3A_698 = arith.constant 0 : i32
      %dma_start3A_699 = tpu.memref_slice %arg5[%add3A_692, %dma_start3A_698] : memref<50x128xi32, #tpu.memory_space<vmem>> -> memref<1x128xi32, #tpu.memory_space<vmem>>
      %dma_start3A_700 = tpu.memref_squeeze %dma_start3A_699 : memref<1x128xi32, #tpu.memory_space<vmem>> -> memref<128xi32, #tpu.memory_space<vmem>>
      %dma_start3A_701 = arith.constant 0 : i32
      %dma_start3A_702 = tpu.memref_slice %arg3[%dma_start3A_701] : memref<1000000xf32, #tpu.memory_space<hbm>> -> memref<1000000xf32, #tpu.memory_space<hbm>>
      tpu.enqueue_indirect_dma source(%dma_start3A_702 : memref<1000000xf32, #tpu.memory_space<hbm>>) target(%dma_start3A_697 : memref<128xf32, #tpu.memory_space<vmem>>) offsets(%dma_start3A_700 : memref<128xi32, #tpu.memory_space<vmem>>) semaphore(%arg8 : memref<!tpu.dma_semaphore, #tpu.memory_space<semaphore_mem>>)
      %add3A_703 = arith.constant 9 : i32
      %add3A_704 = arith.addi %mul3A_595, %add3A_703 : i32
      %add3A_705 = arith.constant 9 : i32
      %add3A_706 = arith.addi %mul3A_595, %add3A_705 : i32
      %dma_start3A_707 = arith.constant 0 : i32
      %dma_start3A_708 = tpu.memref_slice %arg6[%add3A_706, %dma_start3A_707] : memref<50x128xf32, #tpu.memory_space<vmem>> -> memref<1x128xf32, #tpu.memory_space<vmem>>
      %dma_start3A_709 = tpu.memref_squeeze %dma_start3A_708 : memref<1x128xf32, #tpu.memory_space<vmem>> -> memref<128xf32, #tpu.memory_space<vmem>>
      %dma_start3A_710 = arith.constant 0 : i32
      %dma_start3A_711 = tpu.memref_slice %arg5[%add3A_704, %dma_start3A_710] : memref<50x128xi32, #tpu.memory_space<vmem>> -> memref<1x128xi32, #tpu.memory_space<vmem>>
      %dma_start3A_712 = tpu.memref_squeeze %dma_start3A_711 : memref<1x128xi32, #tpu.memory_space<vmem>> -> memref<128xi32, #tpu.memory_space<vmem>>
      %dma_start3A_713 = arith.constant 0 : i32
      %dma_start3A_714 = tpu.memref_slice %arg3[%dma_start3A_713] : memref<1000000xf32, #tpu.memory_space<hbm>> -> memref<1000000xf32, #tpu.memory_space<hbm>>
      tpu.enqueue_indirect_dma source(%dma_start3A_714 : memref<1000000xf32, #tpu.memory_space<hbm>>) target(%dma_start3A_709 : memref<128xf32, #tpu.memory_space<vmem>>) offsets(%dma_start3A_712 : memref<128xi32, #tpu.memory_space<vmem>>) semaphore(%arg8 : memref<!tpu.dma_semaphore, #tpu.memory_space<semaphore_mem>>)
    }
    %scan3A_5 = arith.constant 5 : i32
    %dma_wait3A = arith.constant 0 : i32
    %dma_wait3A_6 = arith.constant 0 : i32
    %dma_wait3A_7 = tpu.memref_slice %arg6[%dma_wait3A, %dma_wait3A_6] : memref<50x128xf32, #tpu.memory_space<vmem>> -> memref<1x128xf32, #tpu.memory_space<vmem>>
    %dma_wait3A_8 = tpu.memref_squeeze %dma_wait3A_7 : memref<1x128xf32, #tpu.memory_space<vmem>> -> memref<128xf32, #tpu.memory_space<vmem>>
    %dma_wait3A_9 = arith.constant 0 : i32
    %dma_wait3A_10 = tpu.memref_slice %arg3[%dma_wait3A_9] : memref<1000000xf32, #tpu.memory_space<hbm>> -> memref<128xf32, #tpu.memory_space<hbm>>
    %dma_wait3A_11 = arith.constant 0 : i32
    %dma_wait3A_12 = tpu.memref_slice %arg6[%dma_wait3A, %dma_wait3A_11] : memref<50x128xf32, #tpu.memory_space<vmem>> -> memref<1x128xf32, #tpu.memory_space<vmem>>
    %dma_wait3A_13 = tpu.memref_squeeze %dma_wait3A_12 : memref<1x128xf32, #tpu.memory_space<vmem>> -> memref<128xf32, #tpu.memory_space<vmem>>
    %dma_wait3A_14 = arith.constant 0 : i32
    %dma_wait3A_15 = tpu.memref_slice %arg3[%dma_wait3A_14] : memref<1000000xf32, #tpu.memory_space<hbm>> -> memref<128xf32, #tpu.memory_space<hbm>>
    tpu.wait_dma2 semaphore(%arg8 : memref<!tpu.dma_semaphore, #tpu.memory_space<semaphore_mem>>) src(%dma_wait3A_15 : memref<128xf32, #tpu.memory_space<hbm>>) dst(%dma_wait3A_13 : memref<128xf32, #tpu.memory_space<vmem>>)
    %dma_wait3A_16 = arith.constant 0 : i32
    %dma_wait3A_17 = arith.constant 0 : i32
    %dma_wait3A_18 = tpu.memref_slice %arg6[%dma_wait3A_16, %dma_wait3A_17] : memref<50x128xf32, #tpu.memory_space<vmem>> -> memref<1x128xf32, #tpu.memory_space<vmem>>
    %dma_wait3A_19 = tpu.memref_squeeze %dma_wait3A_18 : memref<1x128xf32, #tpu.memory_space<vmem>> -> memref<128xf32, #tpu.memory_space<vmem>>
    %dma_wait3A_20 = arith.constant 0 : i32
    %dma_wait3A_21 = tpu.memref_slice %arg3[%dma_wait3A_20] : memref<1000000xf32, #tpu.memory_space<hbm>> -> memref<128xf32, #tpu.memory_space<hbm>>
    %dma_wait3A_22 = arith.constant 0 : i32
    %dma_wait3A_23 = tpu.memref_slice %arg6[%dma_wait3A_16, %dma_wait3A_22] : memref<50x128xf32, #tpu.memory_space<vmem>> -> memref<1x128xf32, #tpu.memory_space<vmem>>
    %dma_wait3A_24 = tpu.memref_squeeze %dma_wait3A_23 : memref<1x128xf32, #tpu.memory_space<vmem>> -> memref<128xf32, #tpu.memory_space<vmem>>
    %dma_wait3A_25 = arith.constant 0 : i32
    %dma_wait3A_26 = tpu.memref_slice %arg3[%dma_wait3A_25] : memref<1000000xf32, #tpu.memory_space<hbm>> -> memref<128xf32, #tpu.memory_space<hbm>>
    tpu.wait_dma2 semaphore(%arg8 : memref<!tpu.dma_semaphore, #tpu.memory_space<semaphore_mem>>) src(%dma_wait3A_26 : memref<128xf32, #tpu.memory_space<hbm>>) dst(%dma_wait3A_24 : memref<128xf32, #tpu.memory_space<vmem>>)
    %dma_wait3A_27 = arith.constant 0 : i32
    %dma_wait3A_28 = arith.constant 0 : i32
    %dma_wait3A_29 = tpu.memref_slice %arg6[%dma_wait3A_27, %dma_wait3A_28] : memref<50x128xf32, #tpu.memory_space<vmem>> -> memref<1x128xf32, #tpu.memory_space<vmem>>
    %dma_wait3A_30 = tpu.memref_squeeze %dma_wait3A_29 : memref<1x128xf32, #tpu.memory_space<vmem>> -> memref<128xf32, #tpu.memory_space<vmem>>
    %dma_wait3A_31 = arith.constant 0 : i32
    %dma_wait3A_32 = tpu.memref_slice %arg3[%dma_wait3A_31] : memref<1000000xf32, #tpu.memory_space<hbm>> -> memref<128xf32, #tpu.memory_space<hbm>>
    %dma_wait3A_33 = arith.constant 0 : i32
    %dma_wait3A_34 = tpu.memref_slice %arg6[%dma_wait3A_27, %dma_wait3A_33] : memref<50x128xf32, #tpu.memory_space<vmem>> -> memref<1x128xf32, #tpu.memory_space<vmem>>
    %dma_wait3A_35 = tpu.memref_squeeze %dma_wait3A_34 : memref<1x128xf32, #tpu.memory_space<vmem>> -> memref<128xf32, #tpu.memory_space<vmem>>
    %dma_wait3A_36 = arith.constant 0 : i32
    %dma_wait3A_37 = tpu.memref_slice %arg3[%dma_wait3A_36] : memref<1000000xf32, #tpu.memory_space<hbm>> -> memref<128xf32, #tpu.memory_space<hbm>>
    tpu.wait_dma2 semaphore(%arg8 : memref<!tpu.dma_semaphore, #tpu.memory_space<semaphore_mem>>) src(%dma_wait3A_37 : memref<128xf32, #tpu.memory_space<hbm>>) dst(%dma_wait3A_35 : memref<128xf32, #tpu.memory_space<vmem>>)
    %dma_wait3A_38 = arith.constant 0 : i32
    %dma_wait3A_39 = arith.constant 0 : i32
    %dma_wait3A_40 = tpu.memref_slice %arg6[%dma_wait3A_38, %dma_wait3A_39] : memref<50x128xf32, #tpu.memory_space<vmem>> -> memref<1x128xf32, #tpu.memory_space<vmem>>
    %dma_wait3A_41 = tpu.memref_squeeze %dma_wait3A_40 : memref<1x128xf32, #tpu.memory_space<vmem>> -> memref<128xf32, #tpu.memory_space<vmem>>
    %dma_wait3A_42 = arith.constant 0 : i32
    %dma_wait3A_43 = tpu.memref_slice %arg3[%dma_wait3A_42] : memref<1000000xf32, #tpu.memory_space<hbm>> -> memref<128xf32, #tpu.memory_space<hbm>>
    %dma_wait3A_44 = arith.constant 0 : i32
    %dma_wait3A_45 = tpu.memref_slice %arg6[%dma_wait3A_38, %dma_wait3A_44] : memref<50x128xf32, #tpu.memory_space<vmem>> -> memref<1x128xf32, #tpu.memory_space<vmem>>
    %dma_wait3A_46 = tpu.memref_squeeze %dma_wait3A_45 : memref<1x128xf32, #tpu.memory_space<vmem>> -> memref<128xf32, #tpu.memory_space<vmem>>
    %dma_wait3A_47 = arith.constant 0 : i32
    %dma_wait3A_48 = tpu.memref_slice %arg3[%dma_wait3A_47] : memref<1000000xf32, #tpu.memory_space<hbm>> -> memref<128xf32, #tpu.memory_space<hbm>>
    tpu.wait_dma2 semaphore(%arg8 : memref<!tpu.dma_semaphore, #tpu.memory_space<semaphore_mem>>) src(%dma_wait3A_48 : memref<128xf32, #tpu.memory_space<hbm>>) dst(%dma_wait3A_46 : memref<128xf32, #tpu.memory_space<vmem>>)
    %dma_wait3A_49 = arith.constant 0 : i32
    %dma_wait3A_50 = arith.constant 0 : i32
    %dma_wait3A_51 = tpu.memref_slice %arg6[%dma_wait3A_49, %dma_wait3A_50] : memref<50x128xf32, #tpu.memory_space<vmem>> -> memref<1x128xf32, #tpu.memory_space<vmem>>
    %dma_wait3A_52 = tpu.memref_squeeze %dma_wait3A_51 : memref<1x128xf32, #tpu.memory_space<vmem>> -> memref<128xf32, #tpu.memory_space<vmem>>
    %dma_wait3A_53 = arith.constant 0 : i32
    %dma_wait3A_54 = tpu.memref_slice %arg3[%dma_wait3A_53] : memref<1000000xf32, #tpu.memory_space<hbm>> -> memref<128xf32, #tpu.memory_space<hbm>>
    %dma_wait3A_55 = arith.constant 0 : i32
    %dma_wait3A_56 = tpu.memref_slice %arg6[%dma_wait3A_49, %dma_wait3A_55] : memref<50x128xf32, #tpu.memory_space<vmem>> -> memref<1x128xf32, #tpu.memory_space<vmem>>
    %dma_wait3A_57 = tpu.memref_squeeze %dma_wait3A_56 : memref<1x128xf32, #tpu.memory_space<vmem>> -> memref<128xf32, #tpu.memory_space<vmem>>
    %dma_wait3A_58 = arith.constant 0 : i32
    %dma_wait3A_59 = tpu.memref_slice %arg3[%dma_wait3A_58] : memref<1000000xf32, #tpu.memory_space<hbm>> -> memref<128xf32, #tpu.memory_space<hbm>>
    tpu.wait_dma2 semaphore(%arg8 : memref<!tpu.dma_semaphore, #tpu.memory_space<semaphore_mem>>) src(%dma_wait3A_59 : memref<128xf32, #tpu.memory_space<hbm>>) dst(%dma_wait3A_57 : memref<128xf32, #tpu.memory_space<vmem>>)
    %dma_wait3A_60 = arith.constant 0 : i32
    %dma_wait3A_61 = arith.constant 0 : i32
    %dma_wait3A_62 = tpu.memref_slice %arg6[%dma_wait3A_60, %dma_wait3A_61] : memref<50x128xf32, #tpu.memory_space<vmem>> -> memref<1x128xf32, #tpu.memory_space<vmem>>
    %dma_wait3A_63 = tpu.memref_squeeze %dma_wait3A_62 : memref<1x128xf32, #tpu.memory_space<vmem>> -> memref<128xf32, #tpu.memory_space<vmem>>
    %dma_wait3A_64 = arith.constant 0 : i32
    %dma_wait3A_65 = tpu.memref_slice %arg3[%dma_wait3A_64] : memref<1000000xf32, #tpu.memory_space<hbm>> -> memref<128xf32, #tpu.memory_space<hbm>>
    %dma_wait3A_66 = arith.constant 0 : i32
    %dma_wait3A_67 = tpu.memref_slice %arg6[%dma_wait3A_60, %dma_wait3A_66] : memref<50x128xf32, #tpu.memory_space<vmem>> -> memref<1x128xf32, #tpu.memory_space<vmem>>
    %dma_wait3A_68 = tpu.memref_squeeze %dma_wait3A_67 : memref<1x128xf32, #tpu.memory_space<vmem>> -> memref<128xf32, #tpu.memory_space<vmem>>
    %dma_wait3A_69 = arith.constant 0 : i32
    %dma_wait3A_70 = tpu.memref_slice %arg3[%dma_wait3A_69] : memref<1000000xf32, #tpu.memory_space<hbm>> -> memref<128xf32, #tpu.memory_space<hbm>>
    tpu.wait_dma2 semaphore(%arg8 : memref<!tpu.dma_semaphore, #tpu.memory_space<semaphore_mem>>) src(%dma_wait3A_70 : memref<128xf32, #tpu.memory_space<hbm>>) dst(%dma_wait3A_68 : memref<128xf32, #tpu.memory_space<vmem>>)
    %dma_wait3A_71 = arith.constant 0 : i32
    %dma_wait3A_72 = arith.constant 0 : i32
    %dma_wait3A_73 = tpu.memref_slice %arg6[%dma_wait3A_71, %dma_wait3A_72] : memref<50x128xf32, #tpu.memory_space<vmem>> -> memref<1x128xf32, #tpu.memory_space<vmem>>
    %dma_wait3A_74 = tpu.memref_squeeze %dma_wait3A_73 : memref<1x128xf32, #tpu.memory_space<vmem>> -> memref<128xf32, #tpu.memory_space<vmem>>
    %dma_wait3A_75 = arith.constant 0 : i32
    %dma_wait3A_76 = tpu.memref_slice %arg3[%dma_wait3A_75] : memref<1000000xf32, #tpu.memory_space<hbm>> -> memref<128xf32, #tpu.memory_space<hbm>>
    %dma_wait3A_77 = arith.constant 0 : i32
    %dma_wait3A_78 = tpu.memref_slice %arg6[%dma_wait3A_71, %dma_wait3A_77] : memref<50x128xf32, #tpu.memory_space<vmem>> -> memref<1x128xf32, #tpu.memory_space<vmem>>
    %dma_wait3A_79 = tpu.memref_squeeze %dma_wait3A_78 : memref<1x128xf32, #tpu.memory_space<vmem>> -> memref<128xf32, #tpu.memory_space<vmem>>
    %dma_wait3A_80 = arith.constant 0 : i32
    %dma_wait3A_81 = tpu.memref_slice %arg3[%dma_wait3A_80] : memref<1000000xf32, #tpu.memory_space<hbm>> -> memref<128xf32, #tpu.memory_space<hbm>>
    tpu.wait_dma2 semaphore(%arg8 : memref<!tpu.dma_semaphore, #tpu.memory_space<semaphore_mem>>) src(%dma_wait3A_81 : memref<128xf32, #tpu.memory_space<hbm>>) dst(%dma_wait3A_79 : memref<128xf32, #tpu.memory_space<vmem>>)
    %dma_wait3A_82 = arith.constant 0 : i32
    %dma_wait3A_83 = arith.constant 0 : i32
    %dma_wait3A_84 = tpu.memref_slice %arg6[%dma_wait3A_82, %dma_wait3A_83] : memref<50x128xf32, #tpu.memory_space<vmem>> -> memref<1x128xf32, #tpu.memory_space<vmem>>
    %dma_wait3A_85 = tpu.memref_squeeze %dma_wait3A_84 : memref<1x128xf32, #tpu.memory_space<vmem>> -> memref<128xf32, #tpu.memory_space<vmem>>
    %dma_wait3A_86 = arith.constant 0 : i32
    %dma_wait3A_87 = tpu.memref_slice %arg3[%dma_wait3A_86] : memref<1000000xf32, #tpu.memory_space<hbm>> -> memref<128xf32, #tpu.memory_space<hbm>>
    %dma_wait3A_88 = arith.constant 0 : i32
    %dma_wait3A_89 = tpu.memref_slice %arg6[%dma_wait3A_82, %dma_wait3A_88] : memref<50x128xf32, #tpu.memory_space<vmem>> -> memref<1x128xf32, #tpu.memory_space<vmem>>
    %dma_wait3A_90 = tpu.memref_squeeze %dma_wait3A_89 : memref<1x128xf32, #tpu.memory_space<vmem>> -> memref<128xf32, #tpu.memory_space<vmem>>
    %dma_wait3A_91 = arith.constant 0 : i32
    %dma_wait3A_92 = tpu.memref_slice %arg3[%dma_wait3A_91] : memref<1000000xf32, #tpu.memory_space<hbm>> -> memref<128xf32, #tpu.memory_space<hbm>>
    tpu.wait_dma2 semaphore(%arg8 : memref<!tpu.dma_semaphore, #tpu.memory_space<semaphore_mem>>) src(%dma_wait3A_92 : memref<128xf32, #tpu.memory_space<hbm>>) dst(%dma_wait3A_90 : memref<128xf32, #tpu.memory_space<vmem>>)
    %dma_wait3A_93 = arith.constant 0 : i32
    %dma_wait3A_94 = arith.constant 0 : i32
    %dma_wait3A_95 = tpu.memref_slice %arg6[%dma_wait3A_93, %dma_wait3A_94] : memref<50x128xf32, #tpu.memory_space<vmem>> -> memref<1x128xf32, #tpu.memory_space<vmem>>
    %dma_wait3A_96 = tpu.memref_squeeze %dma_wait3A_95 : memref<1x128xf32, #tpu.memory_space<vmem>> -> memref<128xf32, #tpu.memory_space<vmem>>
    %dma_wait3A_97 = arith.constant 0 : i32
    %dma_wait3A_98 = tpu.memref_slice %arg3[%dma_wait3A_97] : memref<1000000xf32, #tpu.memory_space<hbm>> -> memref<128xf32, #tpu.memory_space<hbm>>
    %dma_wait3A_99 = arith.constant 0 : i32
    %dma_wait3A_100 = tpu.memref_slice %arg6[%dma_wait3A_93, %dma_wait3A_99] : memref<50x128xf32, #tpu.memory_space<vmem>> -> memref<1x128xf32, #tpu.memory_space<vmem>>
    %dma_wait3A_101 = tpu.memref_squeeze %dma_wait3A_100 : memref<1x128xf32, #tpu.memory_space<vmem>> -> memref<128xf32, #tpu.memory_space<vmem>>
    %dma_wait3A_102 = arith.constant 0 : i32
    %dma_wait3A_103 = tpu.memref_slice %arg3[%dma_wait3A_102] : memref<1000000xf32, #tpu.memory_space<hbm>> -> memref<128xf32, #tpu.memory_space<hbm>>
    tpu.wait_dma2 semaphore(%arg8 : memref<!tpu.dma_semaphore, #tpu.memory_space<semaphore_mem>>) src(%dma_wait3A_103 : memref<128xf32, #tpu.memory_space<hbm>>) dst(%dma_wait3A_101 : memref<128xf32, #tpu.memory_space<vmem>>)
    %dma_wait3A_104 = arith.constant 0 : i32
    %dma_wait3A_105 = arith.constant 0 : i32
    %dma_wait3A_106 = tpu.memref_slice %arg6[%dma_wait3A_104, %dma_wait3A_105] : memref<50x128xf32, #tpu.memory_space<vmem>> -> memref<1x128xf32, #tpu.memory_space<vmem>>
    %dma_wait3A_107 = tpu.memref_squeeze %dma_wait3A_106 : memref<1x128xf32, #tpu.memory_space<vmem>> -> memref<128xf32, #tpu.memory_space<vmem>>
    %dma_wait3A_108 = arith.constant 0 : i32
    %dma_wait3A_109 = tpu.memref_slice %arg3[%dma_wait3A_108] : memref<1000000xf32, #tpu.memory_space<hbm>> -> memref<128xf32, #tpu.memory_space<hbm>>
    %dma_wait3A_110 = arith.constant 0 : i32
    %dma_wait3A_111 = tpu.memref_slice %arg6[%dma_wait3A_104, %dma_wait3A_110] : memref<50x128xf32, #tpu.memory_space<vmem>> -> memref<1x128xf32, #tpu.memory_space<vmem>>
    %dma_wait3A_112 = tpu.memref_squeeze %dma_wait3A_111 : memref<1x128xf32, #tpu.memory_space<vmem>> -> memref<128xf32, #tpu.memory_space<vmem>>
    %dma_wait3A_113 = arith.constant 0 : i32
    %dma_wait3A_114 = tpu.memref_slice %arg3[%dma_wait3A_113] : memref<1000000xf32, #tpu.memory_space<hbm>> -> memref<128xf32, #tpu.memory_space<hbm>>
    tpu.wait_dma2 semaphore(%arg8 : memref<!tpu.dma_semaphore, #tpu.memory_space<semaphore_mem>>) src(%dma_wait3A_114 : memref<128xf32, #tpu.memory_space<hbm>>) dst(%dma_wait3A_112 : memref<128xf32, #tpu.memory_space<vmem>>)
    %dma_wait3A_115 = arith.constant 0 : i32
    %dma_wait3A_116 = arith.constant 0 : i32
    %dma_wait3A_117 = tpu.memref_slice %arg6[%dma_wait3A_115, %dma_wait3A_116] : memref<50x128xf32, #tpu.memory_space<vmem>> -> memref<1x128xf32, #tpu.memory_space<vmem>>
    %dma_wait3A_118 = tpu.memref_squeeze %dma_wait3A_117 : memref<1x128xf32, #tpu.memory_space<vmem>> -> memref<128xf32, #tpu.memory_space<vmem>>
    %dma_wait3A_119 = arith.constant 0 : i32
    %dma_wait3A_120 = tpu.memref_slice %arg3[%dma_wait3A_119] : memref<1000000xf32, #tpu.memory_space<hbm>> -> memref<128xf32, #tpu.memory_space<hbm>>
    %dma_wait3A_121 = arith.constant 0 : i32
    %dma_wait3A_122 = tpu.memref_slice %arg6[%dma_wait3A_115, %dma_wait3A_121] : memref<50x128xf32, #tpu.memory_space<vmem>> -> memref<1x128xf32, #tpu.memory_space<vmem>>
    %dma_wait3A_123 = tpu.memref_squeeze %dma_wait3A_122 : memref<1x128xf32, #tpu.memory_space<vmem>> -> memref<128xf32, #tpu.memory_space<vmem>>
    %dma_wait3A_124 = arith.constant 0 : i32
    %dma_wait3A_125 = tpu.memref_slice %arg3[%dma_wait3A_124] : memref<1000000xf32, #tpu.memory_space<hbm>> -> memref<128xf32, #tpu.memory_space<hbm>>
    tpu.wait_dma2 semaphore(%arg8 : memref<!tpu.dma_semaphore, #tpu.memory_space<semaphore_mem>>) src(%dma_wait3A_125 : memref<128xf32, #tpu.memory_space<hbm>>) dst(%dma_wait3A_123 : memref<128xf32, #tpu.memory_space<vmem>>)
    %dma_wait3A_126 = arith.constant 0 : i32
    %dma_wait3A_127 = arith.constant 0 : i32
    %dma_wait3A_128 = tpu.memref_slice %arg6[%dma_wait3A_126, %dma_wait3A_127] : memref<50x128xf32, #tpu.memory_space<vmem>> -> memref<1x128xf32, #tpu.memory_space<vmem>>
    %dma_wait3A_129 = tpu.memref_squeeze %dma_wait3A_128 : memref<1x128xf32, #tpu.memory_space<vmem>> -> memref<128xf32, #tpu.memory_space<vmem>>
    %dma_wait3A_130 = arith.constant 0 : i32
    %dma_wait3A_131 = tpu.memref_slice %arg3[%dma_wait3A_130] : memref<1000000xf32, #tpu.memory_space<hbm>> -> memref<128xf32, #tpu.memory_space<hbm>>
    %dma_wait3A_132 = arith.constant 0 : i32
    %dma_wait3A_133 = tpu.memref_slice %arg6[%dma_wait3A_126, %dma_wait3A_132] : memref<50x128xf32, #tpu.memory_space<vmem>> -> memref<1x128xf32, #tpu.memory_space<vmem>>
    %dma_wait3A_134 = tpu.memref_squeeze %dma_wait3A_133 : memref<1x128xf32, #tpu.memory_space<vmem>> -> memref<128xf32, #tpu.memory_space<vmem>>
    %dma_wait3A_135 = arith.constant 0 : i32
    %dma_wait3A_136 = tpu.memref_slice %arg3[%dma_wait3A_135] : memref<1000000xf32, #tpu.memory_space<hbm>> -> memref<128xf32, #tpu.memory_space<hbm>>
    tpu.wait_dma2 semaphore(%arg8 : memref<!tpu.dma_semaphore, #tpu.memory_space<semaphore_mem>>) src(%dma_wait3A_136 : memref<128xf32, #tpu.memory_space<hbm>>) dst(%dma_wait3A_134 : memref<128xf32, #tpu.memory_space<vmem>>)
    %dma_wait3A_137 = arith.constant 0 : i32
    %dma_wait3A_138 = arith.constant 0 : i32
    %dma_wait3A_139 = tpu.memref_slice %arg6[%dma_wait3A_137, %dma_wait3A_138] : memref<50x128xf32, #tpu.memory_space<vmem>> -> memref<1x128xf32, #tpu.memory_space<vmem>>
    %dma_wait3A_140 = tpu.memref_squeeze %dma_wait3A_139 : memref<1x128xf32, #tpu.memory_space<vmem>> -> memref<128xf32, #tpu.memory_space<vmem>>
    %dma_wait3A_141 = arith.constant 0 : i32
    %dma_wait3A_142 = tpu.memref_slice %arg3[%dma_wait3A_141] : memref<1000000xf32, #tpu.memory_space<hbm>> -> memref<128xf32, #tpu.memory_space<hbm>>
    %dma_wait3A_143 = arith.constant 0 : i32
    %dma_wait3A_144 = tpu.memref_slice %arg6[%dma_wait3A_137, %dma_wait3A_143] : memref<50x128xf32, #tpu.memory_space<vmem>> -> memref<1x128xf32, #tpu.memory_space<vmem>>
    %dma_wait3A_145 = tpu.memref_squeeze %dma_wait3A_144 : memref<1x128xf32, #tpu.memory_space<vmem>> -> memref<128xf32, #tpu.memory_space<vmem>>
    %dma_wait3A_146 = arith.constant 0 : i32
    %dma_wait3A_147 = tpu.memref_slice %arg3[%dma_wait3A_146] : memref<1000000xf32, #tpu.memory_space<hbm>> -> memref<128xf32, #tpu.memory_space<hbm>>
    tpu.wait_dma2 semaphore(%arg8 : memref<!tpu.dma_semaphore, #tpu.memory_space<semaphore_mem>>) src(%dma_wait3A_147 : memref<128xf32, #tpu.memory_space<hbm>>) dst(%dma_wait3A_145 : memref<128xf32, #tpu.memory_space<vmem>>)
    %dma_wait3A_148 = arith.constant 0 : i32
    %dma_wait3A_149 = arith.constant 0 : i32
    %dma_wait3A_150 = tpu.memref_slice %arg6[%dma_wait3A_148, %dma_wait3A_149] : memref<50x128xf32, #tpu.memory_space<vmem>> -> memref<1x128xf32, #tpu.memory_space<vmem>>
    %dma_wait3A_151 = tpu.memref_squeeze %dma_wait3A_150 : memref<1x128xf32, #tpu.memory_space<vmem>> -> memref<128xf32, #tpu.memory_space<vmem>>
    %dma_wait3A_152 = arith.constant 0 : i32
    %dma_wait3A_153 = tpu.memref_slice %arg3[%dma_wait3A_152] : memref<1000000xf32, #tpu.memory_space<hbm>> -> memref<128xf32, #tpu.memory_space<hbm>>
    %dma_wait3A_154 = arith.constant 0 : i32
    %dma_wait3A_155 = tpu.memref_slice %arg6[%dma_wait3A_148, %dma_wait3A_154] : memref<50x128xf32, #tpu.memory_space<vmem>> -> memref<1x128xf32, #tpu.memory_space<vmem>>
    %dma_wait3A_156 = tpu.memref_squeeze %dma_wait3A_155 : memref<1x128xf32, #tpu.memory_space<vmem>> -> memref<128xf32, #tpu.memory_space<vmem>>
    %dma_wait3A_157 = arith.constant 0 : i32
    %dma_wait3A_158 = tpu.memref_slice %arg3[%dma_wait3A_157] : memref<1000000xf32, #tpu.memory_space<hbm>> -> memref<128xf32, #tpu.memory_space<hbm>>
    tpu.wait_dma2 semaphore(%arg8 : memref<!tpu.dma_semaphore, #tpu.memory_space<semaphore_mem>>) src(%dma_wait3A_158 : memref<128xf32, #tpu.memory_space<hbm>>) dst(%dma_wait3A_156 : memref<128xf32, #tpu.memory_space<vmem>>)
    %dma_wait3A_159 = arith.constant 0 : i32
    %dma_wait3A_160 = arith.constant 0 : i32
    %dma_wait3A_161 = tpu.memref_slice %arg6[%dma_wait3A_159, %dma_wait3A_160] : memref<50x128xf32, #tpu.memory_space<vmem>> -> memref<1x128xf32, #tpu.memory_space<vmem>>
    %dma_wait3A_162 = tpu.memref_squeeze %dma_wait3A_161 : memref<1x128xf32, #tpu.memory_space<vmem>> -> memref<128xf32, #tpu.memory_space<vmem>>
    %dma_wait3A_163 = arith.constant 0 : i32
    %dma_wait3A_164 = tpu.memref_slice %arg3[%dma_wait3A_163] : memref<1000000xf32, #tpu.memory_space<hbm>> -> memref<128xf32, #tpu.memory_space<hbm>>
    %dma_wait3A_165 = arith.constant 0 : i32
    %dma_wait3A_166 = tpu.memref_slice %arg6[%dma_wait3A_159, %dma_wait3A_165] : memref<50x128xf32, #tpu.memory_space<vmem>> -> memref<1x128xf32, #tpu.memory_space<vmem>>
    %dma_wait3A_167 = tpu.memref_squeeze %dma_wait3A_166 : memref<1x128xf32, #tpu.memory_space<vmem>> -> memref<128xf32, #tpu.memory_space<vmem>>
    %dma_wait3A_168 = arith.constant 0 : i32
    %dma_wait3A_169 = tpu.memref_slice %arg3[%dma_wait3A_168] : memref<1000000xf32, #tpu.memory_space<hbm>> -> memref<128xf32, #tpu.memory_space<hbm>>
    tpu.wait_dma2 semaphore(%arg8 : memref<!tpu.dma_semaphore, #tpu.memory_space<semaphore_mem>>) src(%dma_wait3A_169 : memref<128xf32, #tpu.memory_space<hbm>>) dst(%dma_wait3A_167 : memref<128xf32, #tpu.memory_space<vmem>>)
    %dma_wait3A_170 = arith.constant 0 : i32
    %dma_wait3A_171 = arith.constant 0 : i32
    %dma_wait3A_172 = tpu.memref_slice %arg6[%dma_wait3A_170, %dma_wait3A_171] : memref<50x128xf32, #tpu.memory_space<vmem>> -> memref<1x128xf32, #tpu.memory_space<vmem>>
    %dma_wait3A_173 = tpu.memref_squeeze %dma_wait3A_172 : memref<1x128xf32, #tpu.memory_space<vmem>> -> memref<128xf32, #tpu.memory_space<vmem>>
    %dma_wait3A_174 = arith.constant 0 : i32
    %dma_wait3A_175 = tpu.memref_slice %arg3[%dma_wait3A_174] : memref<1000000xf32, #tpu.memory_space<hbm>> -> memref<128xf32, #tpu.memory_space<hbm>>
    %dma_wait3A_176 = arith.constant 0 : i32
    %dma_wait3A_177 = tpu.memref_slice %arg6[%dma_wait3A_170, %dma_wait3A_176] : memref<50x128xf32, #tpu.memory_space<vmem>> -> memref<1x128xf32, #tpu.memory_space<vmem>>
    %dma_wait3A_178 = tpu.memref_squeeze %dma_wait3A_177 : memref<1x128xf32, #tpu.memory_space<vmem>> -> memref<128xf32, #tpu.memory_space<vmem>>
    %dma_wait3A_179 = arith.constant 0 : i32
    %dma_wait3A_180 = tpu.memref_slice %arg3[%dma_wait3A_179] : memref<1000000xf32, #tpu.memory_space<hbm>> -> memref<128xf32, #tpu.memory_space<hbm>>
    tpu.wait_dma2 semaphore(%arg8 : memref<!tpu.dma_semaphore, #tpu.memory_space<semaphore_mem>>) src(%dma_wait3A_180 : memref<128xf32, #tpu.memory_space<hbm>>) dst(%dma_wait3A_178 : memref<128xf32, #tpu.memory_space<vmem>>)
    %dma_wait3A_181 = arith.constant 0 : i32
    %dma_wait3A_182 = arith.constant 0 : i32
    %dma_wait3A_183 = tpu.memref_slice %arg6[%dma_wait3A_181, %dma_wait3A_182] : memref<50x128xf32, #tpu.memory_space<vmem>> -> memref<1x128xf32, #tpu.memory_space<vmem>>
    %dma_wait3A_184 = tpu.memref_squeeze %dma_wait3A_183 : memref<1x128xf32, #tpu.memory_space<vmem>> -> memref<128xf32, #tpu.memory_space<vmem>>
    %dma_wait3A_185 = arith.constant 0 : i32
    %dma_wait3A_186 = tpu.memref_slice %arg3[%dma_wait3A_185] : memref<1000000xf32, #tpu.memory_space<hbm>> -> memref<128xf32, #tpu.memory_space<hbm>>
    %dma_wait3A_187 = arith.constant 0 : i32
    %dma_wait3A_188 = tpu.memref_slice %arg6[%dma_wait3A_181, %dma_wait3A_187] : memref<50x128xf32, #tpu.memory_space<vmem>> -> memref<1x128xf32, #tpu.memory_space<vmem>>
    %dma_wait3A_189 = tpu.memref_squeeze %dma_wait3A_188 : memref<1x128xf32, #tpu.memory_space<vmem>> -> memref<128xf32, #tpu.memory_space<vmem>>
    %dma_wait3A_190 = arith.constant 0 : i32
    %dma_wait3A_191 = tpu.memref_slice %arg3[%dma_wait3A_190] : memref<1000000xf32, #tpu.memory_space<hbm>> -> memref<128xf32, #tpu.memory_space<hbm>>
    tpu.wait_dma2 semaphore(%arg8 : memref<!tpu.dma_semaphore, #tpu.memory_space<semaphore_mem>>) src(%dma_wait3A_191 : memref<128xf32, #tpu.memory_space<hbm>>) dst(%dma_wait3A_189 : memref<128xf32, #tpu.memory_space<vmem>>)
    %dma_wait3A_192 = arith.constant 0 : i32
    %dma_wait3A_193 = arith.constant 0 : i32
    %dma_wait3A_194 = tpu.memref_slice %arg6[%dma_wait3A_192, %dma_wait3A_193] : memref<50x128xf32, #tpu.memory_space<vmem>> -> memref<1x128xf32, #tpu.memory_space<vmem>>
    %dma_wait3A_195 = tpu.memref_squeeze %dma_wait3A_194 : memref<1x128xf32, #tpu.memory_space<vmem>> -> memref<128xf32, #tpu.memory_space<vmem>>
    %dma_wait3A_196 = arith.constant 0 : i32
    %dma_wait3A_197 = tpu.memref_slice %arg3[%dma_wait3A_196] : memref<1000000xf32, #tpu.memory_space<hbm>> -> memref<128xf32, #tpu.memory_space<hbm>>
    %dma_wait3A_198 = arith.constant 0 : i32
    %dma_wait3A_199 = tpu.memref_slice %arg6[%dma_wait3A_192, %dma_wait3A_198] : memref<50x128xf32, #tpu.memory_space<vmem>> -> memref<1x128xf32, #tpu.memory_space<vmem>>
    %dma_wait3A_200 = tpu.memref_squeeze %dma_wait3A_199 : memref<1x128xf32, #tpu.memory_space<vmem>> -> memref<128xf32, #tpu.memory_space<vmem>>
    %dma_wait3A_201 = arith.constant 0 : i32
    %dma_wait3A_202 = tpu.memref_slice %arg3[%dma_wait3A_201] : memref<1000000xf32, #tpu.memory_space<hbm>> -> memref<128xf32, #tpu.memory_space<hbm>>
    tpu.wait_dma2 semaphore(%arg8 : memref<!tpu.dma_semaphore, #tpu.memory_space<semaphore_mem>>) src(%dma_wait3A_202 : memref<128xf32, #tpu.memory_space<hbm>>) dst(%dma_wait3A_200 : memref<128xf32, #tpu.memory_space<vmem>>)
    %dma_wait3A_203 = arith.constant 0 : i32
    %dma_wait3A_204 = arith.constant 0 : i32
    %dma_wait3A_205 = tpu.memref_slice %arg6[%dma_wait3A_203, %dma_wait3A_204] : memref<50x128xf32, #tpu.memory_space<vmem>> -> memref<1x128xf32, #tpu.memory_space<vmem>>
    %dma_wait3A_206 = tpu.memref_squeeze %dma_wait3A_205 : memref<1x128xf32, #tpu.memory_space<vmem>> -> memref<128xf32, #tpu.memory_space<vmem>>
    %dma_wait3A_207 = arith.constant 0 : i32
    %dma_wait3A_208 = tpu.memref_slice %arg3[%dma_wait3A_207] : memref<1000000xf32, #tpu.memory_space<hbm>> -> memref<128xf32, #tpu.memory_space<hbm>>
    %dma_wait3A_209 = arith.constant 0 : i32
    %dma_wait3A_210 = tpu.memref_slice %arg6[%dma_wait3A_203, %dma_wait3A_209] : memref<50x128xf32, #tpu.memory_space<vmem>> -> memref<1x128xf32, #tpu.memory_space<vmem>>
    %dma_wait3A_211 = tpu.memref_squeeze %dma_wait3A_210 : memref<1x128xf32, #tpu.memory_space<vmem>> -> memref<128xf32, #tpu.memory_space<vmem>>
    %dma_wait3A_212 = arith.constant 0 : i32
    %dma_wait3A_213 = tpu.memref_slice %arg3[%dma_wait3A_212] : memref<1000000xf32, #tpu.memory_space<hbm>> -> memref<128xf32, #tpu.memory_space<hbm>>
    tpu.wait_dma2 semaphore(%arg8 : memref<!tpu.dma_semaphore, #tpu.memory_space<semaphore_mem>>) src(%dma_wait3A_213 : memref<128xf32, #tpu.memory_space<hbm>>) dst(%dma_wait3A_211 : memref<128xf32, #tpu.memory_space<vmem>>)
    %dma_wait3A_214 = arith.constant 0 : i32
    %dma_wait3A_215 = arith.constant 0 : i32
    %dma_wait3A_216 = tpu.memref_slice %arg6[%dma_wait3A_214, %dma_wait3A_215] : memref<50x128xf32, #tpu.memory_space<vmem>> -> memref<1x128xf32, #tpu.memory_space<vmem>>
    %dma_wait3A_217 = tpu.memref_squeeze %dma_wait3A_216 : memref<1x128xf32, #tpu.memory_space<vmem>> -> memref<128xf32, #tpu.memory_space<vmem>>
    %dma_wait3A_218 = arith.constant 0 : i32
    %dma_wait3A_219 = tpu.memref_slice %arg3[%dma_wait3A_218] : memref<1000000xf32, #tpu.memory_space<hbm>> -> memref<128xf32, #tpu.memory_space<hbm>>
    %dma_wait3A_220 = arith.constant 0 : i32
    %dma_wait3A_221 = tpu.memref_slice %arg6[%dma_wait3A_214, %dma_wait3A_220] : memref<50x128xf32, #tpu.memory_space<vmem>> -> memref<1x128xf32, #tpu.memory_space<vmem>>
    %dma_wait3A_222 = tpu.memref_squeeze %dma_wait3A_221 : memref<1x128xf32, #tpu.memory_space<vmem>> -> memref<128xf32, #tpu.memory_space<vmem>>
    %dma_wait3A_223 = arith.constant 0 : i32
    %dma_wait3A_224 = tpu.memref_slice %arg3[%dma_wait3A_223] : memref<1000000xf32, #tpu.memory_space<hbm>> -> memref<128xf32, #tpu.memory_space<hbm>>
    tpu.wait_dma2 semaphore(%arg8 : memref<!tpu.dma_semaphore, #tpu.memory_space<semaphore_mem>>) src(%dma_wait3A_224 : memref<128xf32, #tpu.memory_space<hbm>>) dst(%dma_wait3A_222 : memref<128xf32, #tpu.memory_space<vmem>>)
    %dma_wait3A_225 = arith.constant 0 : i32
    %dma_wait3A_226 = arith.constant 0 : i32
    %dma_wait3A_227 = tpu.memref_slice %arg6[%dma_wait3A_225, %dma_wait3A_226] : memref<50x128xf32, #tpu.memory_space<vmem>> -> memref<1x128xf32, #tpu.memory_space<vmem>>
    %dma_wait3A_228 = tpu.memref_squeeze %dma_wait3A_227 : memref<1x128xf32, #tpu.memory_space<vmem>> -> memref<128xf32, #tpu.memory_space<vmem>>
    %dma_wait3A_229 = arith.constant 0 : i32
    %dma_wait3A_230 = tpu.memref_slice %arg3[%dma_wait3A_229] : memref<1000000xf32, #tpu.memory_space<hbm>> -> memref<128xf32, #tpu.memory_space<hbm>>
    %dma_wait3A_231 = arith.constant 0 : i32
    %dma_wait3A_232 = tpu.memref_slice %arg6[%dma_wait3A_225, %dma_wait3A_231] : memref<50x128xf32, #tpu.memory_space<vmem>> -> memref<1x128xf32, #tpu.memory_space<vmem>>
    %dma_wait3A_233 = tpu.memref_squeeze %dma_wait3A_232 : memref<1x128xf32, #tpu.memory_space<vmem>> -> memref<128xf32, #tpu.memory_space<vmem>>
    %dma_wait3A_234 = arith.constant 0 : i32
    %dma_wait3A_235 = tpu.memref_slice %arg3[%dma_wait3A_234] : memref<1000000xf32, #tpu.memory_space<hbm>> -> memref<128xf32, #tpu.memory_space<hbm>>
    tpu.wait_dma2 semaphore(%arg8 : memref<!tpu.dma_semaphore, #tpu.memory_space<semaphore_mem>>) src(%dma_wait3A_235 : memref<128xf32, #tpu.memory_space<hbm>>) dst(%dma_wait3A_233 : memref<128xf32, #tpu.memory_space<vmem>>)
    %dma_wait3A_236 = arith.constant 0 : i32
    %dma_wait3A_237 = arith.constant 0 : i32
    %dma_wait3A_238 = tpu.memref_slice %arg6[%dma_wait3A_236, %dma_wait3A_237] : memref<50x128xf32, #tpu.memory_space<vmem>> -> memref<1x128xf32, #tpu.memory_space<vmem>>
    %dma_wait3A_239 = tpu.memref_squeeze %dma_wait3A_238 : memref<1x128xf32, #tpu.memory_space<vmem>> -> memref<128xf32, #tpu.memory_space<vmem>>
    %dma_wait3A_240 = arith.constant 0 : i32
    %dma_wait3A_241 = tpu.memref_slice %arg3[%dma_wait3A_240] : memref<1000000xf32, #tpu.memory_space<hbm>> -> memref<128xf32, #tpu.memory_space<hbm>>
    %dma_wait3A_242 = arith.constant 0 : i32
    %dma_wait3A_243 = tpu.memref_slice %arg6[%dma_wait3A_236, %dma_wait3A_242] : memref<50x128xf32, #tpu.memory_space<vmem>> -> memref<1x128xf32, #tpu.memory_space<vmem>>
    %dma_wait3A_244 = tpu.memref_squeeze %dma_wait3A_243 : memref<1x128xf32, #tpu.memory_space<vmem>> -> memref<128xf32, #tpu.memory_space<vmem>>
    %dma_wait3A_245 = arith.constant 0 : i32
    %dma_wait3A_246 = tpu.memref_slice %arg3[%dma_wait3A_245] : memref<1000000xf32, #tpu.memory_space<hbm>> -> memref<128xf32, #tpu.memory_space<hbm>>
    tpu.wait_dma2 semaphore(%arg8 : memref<!tpu.dma_semaphore, #tpu.memory_space<semaphore_mem>>) src(%dma_wait3A_246 : memref<128xf32, #tpu.memory_space<hbm>>) dst(%dma_wait3A_244 : memref<128xf32, #tpu.memory_space<vmem>>)
    %dma_wait3A_247 = arith.constant 0 : i32
    %dma_wait3A_248 = arith.constant 0 : i32
    %dma_wait3A_249 = tpu.memref_slice %arg6[%dma_wait3A_247, %dma_wait3A_248] : memref<50x128xf32, #tpu.memory_space<vmem>> -> memref<1x128xf32, #tpu.memory_space<vmem>>
    %dma_wait3A_250 = tpu.memref_squeeze %dma_wait3A_249 : memref<1x128xf32, #tpu.memory_space<vmem>> -> memref<128xf32, #tpu.memory_space<vmem>>
    %dma_wait3A_251 = arith.constant 0 : i32
    %dma_wait3A_252 = tpu.memref_slice %arg3[%dma_wait3A_251] : memref<1000000xf32, #tpu.memory_space<hbm>> -> memref<128xf32, #tpu.memory_space<hbm>>
    %dma_wait3A_253 = arith.constant 0 : i32
    %dma_wait3A_254 = tpu.memref_slice %arg6[%dma_wait3A_247, %dma_wait3A_253] : memref<50x128xf32, #tpu.memory_space<vmem>> -> memref<1x128xf32, #tpu.memory_space<vmem>>
    %dma_wait3A_255 = tpu.memref_squeeze %dma_wait3A_254 : memref<1x128xf32, #tpu.memory_space<vmem>> -> memref<128xf32, #tpu.memory_space<vmem>>
    %dma_wait3A_256 = arith.constant 0 : i32
    %dma_wait3A_257 = tpu.memref_slice %arg3[%dma_wait3A_256] : memref<1000000xf32, #tpu.memory_space<hbm>> -> memref<128xf32, #tpu.memory_space<hbm>>
    tpu.wait_dma2 semaphore(%arg8 : memref<!tpu.dma_semaphore, #tpu.memory_space<semaphore_mem>>) src(%dma_wait3A_257 : memref<128xf32, #tpu.memory_space<hbm>>) dst(%dma_wait3A_255 : memref<128xf32, #tpu.memory_space<vmem>>)
    %dma_wait3A_258 = arith.constant 0 : i32
    %dma_wait3A_259 = arith.constant 0 : i32
    %dma_wait3A_260 = tpu.memref_slice %arg6[%dma_wait3A_258, %dma_wait3A_259] : memref<50x128xf32, #tpu.memory_space<vmem>> -> memref<1x128xf32, #tpu.memory_space<vmem>>
    %dma_wait3A_261 = tpu.memref_squeeze %dma_wait3A_260 : memref<1x128xf32, #tpu.memory_space<vmem>> -> memref<128xf32, #tpu.memory_space<vmem>>
    %dma_wait3A_262 = arith.constant 0 : i32
    %dma_wait3A_263 = tpu.memref_slice %arg3[%dma_wait3A_262] : memref<1000000xf32, #tpu.memory_space<hbm>> -> memref<128xf32, #tpu.memory_space<hbm>>
    %dma_wait3A_264 = arith.constant 0 : i32
    %dma_wait3A_265 = tpu.memref_slice %arg6[%dma_wait3A_258, %dma_wait3A_264] : memref<50x128xf32, #tpu.memory_space<vmem>> -> memref<1x128xf32, #tpu.memory_space<vmem>>
    %dma_wait3A_266 = tpu.memref_squeeze %dma_wait3A_265 : memref<1x128xf32, #tpu.memory_space<vmem>> -> memref<128xf32, #tpu.memory_space<vmem>>
    %dma_wait3A_267 = arith.constant 0 : i32
    %dma_wait3A_268 = tpu.memref_slice %arg3[%dma_wait3A_267] : memref<1000000xf32, #tpu.memory_space<hbm>> -> memref<128xf32, #tpu.memory_space<hbm>>
    tpu.wait_dma2 semaphore(%arg8 : memref<!tpu.dma_semaphore, #tpu.memory_space<semaphore_mem>>) src(%dma_wait3A_268 : memref<128xf32, #tpu.memory_space<hbm>>) dst(%dma_wait3A_266 : memref<128xf32, #tpu.memory_space<vmem>>)
    %dma_wait3A_269 = arith.constant 0 : i32
    %dma_wait3A_270 = arith.constant 0 : i32
    %dma_wait3A_271 = tpu.memref_slice %arg6[%dma_wait3A_269, %dma_wait3A_270] : memref<50x128xf32, #tpu.memory_space<vmem>> -> memref<1x128xf32, #tpu.memory_space<vmem>>
    %dma_wait3A_272 = tpu.memref_squeeze %dma_wait3A_271 : memref<1x128xf32, #tpu.memory_space<vmem>> -> memref<128xf32, #tpu.memory_space<vmem>>
    %dma_wait3A_273 = arith.constant 0 : i32
    %dma_wait3A_274 = tpu.memref_slice %arg3[%dma_wait3A_273] : memref<1000000xf32, #tpu.memory_space<hbm>> -> memref<128xf32, #tpu.memory_space<hbm>>
    %dma_wait3A_275 = arith.constant 0 : i32
    %dma_wait3A_276 = tpu.memref_slice %arg6[%dma_wait3A_269, %dma_wait3A_275] : memref<50x128xf32, #tpu.memory_space<vmem>> -> memref<1x128xf32, #tpu.memory_space<vmem>>
    %dma_wait3A_277 = tpu.memref_squeeze %dma_wait3A_276 : memref<1x128xf32, #tpu.memory_space<vmem>> -> memref<128xf32, #tpu.memory_space<vmem>>
    %dma_wait3A_278 = arith.constant 0 : i32
    %dma_wait3A_279 = tpu.memref_slice %arg3[%dma_wait3A_278] : memref<1000000xf32, #tpu.memory_space<hbm>> -> memref<128xf32, #tpu.memory_space<hbm>>
    tpu.wait_dma2 semaphore(%arg8 : memref<!tpu.dma_semaphore, #tpu.memory_space<semaphore_mem>>) src(%dma_wait3A_279 : memref<128xf32, #tpu.memory_space<hbm>>) dst(%dma_wait3A_277 : memref<128xf32, #tpu.memory_space<vmem>>)
    %dma_wait3A_280 = arith.constant 0 : i32
    %dma_wait3A_281 = arith.constant 0 : i32
    %dma_wait3A_282 = tpu.memref_slice %arg6[%dma_wait3A_280, %dma_wait3A_281] : memref<50x128xf32, #tpu.memory_space<vmem>> -> memref<1x128xf32, #tpu.memory_space<vmem>>
    %dma_wait3A_283 = tpu.memref_squeeze %dma_wait3A_282 : memref<1x128xf32, #tpu.memory_space<vmem>> -> memref<128xf32, #tpu.memory_space<vmem>>
    %dma_wait3A_284 = arith.constant 0 : i32
    %dma_wait3A_285 = tpu.memref_slice %arg3[%dma_wait3A_284] : memref<1000000xf32, #tpu.memory_space<hbm>> -> memref<128xf32, #tpu.memory_space<hbm>>
    %dma_wait3A_286 = arith.constant 0 : i32
    %dma_wait3A_287 = tpu.memref_slice %arg6[%dma_wait3A_280, %dma_wait3A_286] : memref<50x128xf32, #tpu.memory_space<vmem>> -> memref<1x128xf32, #tpu.memory_space<vmem>>
    %dma_wait3A_288 = tpu.memref_squeeze %dma_wait3A_287 : memref<1x128xf32, #tpu.memory_space<vmem>> -> memref<128xf32, #tpu.memory_space<vmem>>
    %dma_wait3A_289 = arith.constant 0 : i32
    %dma_wait3A_290 = tpu.memref_slice %arg3[%dma_wait3A_289] : memref<1000000xf32, #tpu.memory_space<hbm>> -> memref<128xf32, #tpu.memory_space<hbm>>
    tpu.wait_dma2 semaphore(%arg8 : memref<!tpu.dma_semaphore, #tpu.memory_space<semaphore_mem>>) src(%dma_wait3A_290 : memref<128xf32, #tpu.memory_space<hbm>>) dst(%dma_wait3A_288 : memref<128xf32, #tpu.memory_space<vmem>>)
    %dma_wait3A_291 = arith.constant 0 : i32
    %dma_wait3A_292 = arith.constant 0 : i32
    %dma_wait3A_293 = tpu.memref_slice %arg6[%dma_wait3A_291, %dma_wait3A_292] : memref<50x128xf32, #tpu.memory_space<vmem>> -> memref<1x128xf32, #tpu.memory_space<vmem>>
    %dma_wait3A_294 = tpu.memref_squeeze %dma_wait3A_293 : memref<1x128xf32, #tpu.memory_space<vmem>> -> memref<128xf32, #tpu.memory_space<vmem>>
    %dma_wait3A_295 = arith.constant 0 : i32
    %dma_wait3A_296 = tpu.memref_slice %arg3[%dma_wait3A_295] : memref<1000000xf32, #tpu.memory_space<hbm>> -> memref<128xf32, #tpu.memory_space<hbm>>
    %dma_wait3A_297 = arith.constant 0 : i32
    %dma_wait3A_298 = tpu.memref_slice %arg6[%dma_wait3A_291, %dma_wait3A_297] : memref<50x128xf32, #tpu.memory_space<vmem>> -> memref<1x128xf32, #tpu.memory_space<vmem>>
    %dma_wait3A_299 = tpu.memref_squeeze %dma_wait3A_298 : memref<1x128xf32, #tpu.memory_space<vmem>> -> memref<128xf32, #tpu.memory_space<vmem>>
    %dma_wait3A_300 = arith.constant 0 : i32
    %dma_wait3A_301 = tpu.memref_slice %arg3[%dma_wait3A_300] : memref<1000000xf32, #tpu.memory_space<hbm>> -> memref<128xf32, #tpu.memory_space<hbm>>
    tpu.wait_dma2 semaphore(%arg8 : memref<!tpu.dma_semaphore, #tpu.memory_space<semaphore_mem>>) src(%dma_wait3A_301 : memref<128xf32, #tpu.memory_space<hbm>>) dst(%dma_wait3A_299 : memref<128xf32, #tpu.memory_space<vmem>>)
    %dma_wait3A_302 = arith.constant 0 : i32
    %dma_wait3A_303 = arith.constant 0 : i32
    %dma_wait3A_304 = tpu.memref_slice %arg6[%dma_wait3A_302, %dma_wait3A_303] : memref<50x128xf32, #tpu.memory_space<vmem>> -> memref<1x128xf32, #tpu.memory_space<vmem>>
    %dma_wait3A_305 = tpu.memref_squeeze %dma_wait3A_304 : memref<1x128xf32, #tpu.memory_space<vmem>> -> memref<128xf32, #tpu.memory_space<vmem>>
    %dma_wait3A_306 = arith.constant 0 : i32
    %dma_wait3A_307 = tpu.memref_slice %arg3[%dma_wait3A_306] : memref<1000000xf32, #tpu.memory_space<hbm>> -> memref<128xf32, #tpu.memory_space<hbm>>
    %dma_wait3A_308 = arith.constant 0 : i32
    %dma_wait3A_309 = tpu.memref_slice %arg6[%dma_wait3A_302, %dma_wait3A_308] : memref<50x128xf32, #tpu.memory_space<vmem>> -> memref<1x128xf32, #tpu.memory_space<vmem>>
    %dma_wait3A_310 = tpu.memref_squeeze %dma_wait3A_309 : memref<1x128xf32, #tpu.memory_space<vmem>> -> memref<128xf32, #tpu.memory_space<vmem>>
    %dma_wait3A_311 = arith.constant 0 : i32
    %dma_wait3A_312 = tpu.memref_slice %arg3[%dma_wait3A_311] : memref<1000000xf32, #tpu.memory_space<hbm>> -> memref<128xf32, #tpu.memory_space<hbm>>
    tpu.wait_dma2 semaphore(%arg8 : memref<!tpu.dma_semaphore, #tpu.memory_space<semaphore_mem>>) src(%dma_wait3A_312 : memref<128xf32, #tpu.memory_space<hbm>>) dst(%dma_wait3A_310 : memref<128xf32, #tpu.memory_space<vmem>>)
    %dma_wait3A_313 = arith.constant 0 : i32
    %dma_wait3A_314 = arith.constant 0 : i32
    %dma_wait3A_315 = tpu.memref_slice %arg6[%dma_wait3A_313, %dma_wait3A_314] : memref<50x128xf32, #tpu.memory_space<vmem>> -> memref<1x128xf32, #tpu.memory_space<vmem>>
    %dma_wait3A_316 = tpu.memref_squeeze %dma_wait3A_315 : memref<1x128xf32, #tpu.memory_space<vmem>> -> memref<128xf32, #tpu.memory_space<vmem>>
    %dma_wait3A_317 = arith.constant 0 : i32
    %dma_wait3A_318 = tpu.memref_slice %arg3[%dma_wait3A_317] : memref<1000000xf32, #tpu.memory_space<hbm>> -> memref<128xf32, #tpu.memory_space<hbm>>
    %dma_wait3A_319 = arith.constant 0 : i32
    %dma_wait3A_320 = tpu.memref_slice %arg6[%dma_wait3A_313, %dma_wait3A_319] : memref<50x128xf32, #tpu.memory_space<vmem>> -> memref<1x128xf32, #tpu.memory_space<vmem>>
    %dma_wait3A_321 = tpu.memref_squeeze %dma_wait3A_320 : memref<1x128xf32, #tpu.memory_space<vmem>> -> memref<128xf32, #tpu.memory_space<vmem>>
    %dma_wait3A_322 = arith.constant 0 : i32
    %dma_wait3A_323 = tpu.memref_slice %arg3[%dma_wait3A_322] : memref<1000000xf32, #tpu.memory_space<hbm>> -> memref<128xf32, #tpu.memory_space<hbm>>
    tpu.wait_dma2 semaphore(%arg8 : memref<!tpu.dma_semaphore, #tpu.memory_space<semaphore_mem>>) src(%dma_wait3A_323 : memref<128xf32, #tpu.memory_space<hbm>>) dst(%dma_wait3A_321 : memref<128xf32, #tpu.memory_space<vmem>>)
    %dma_wait3A_324 = arith.constant 0 : i32
    %dma_wait3A_325 = arith.constant 0 : i32
    %dma_wait3A_326 = tpu.memref_slice %arg6[%dma_wait3A_324, %dma_wait3A_325] : memref<50x128xf32, #tpu.memory_space<vmem>> -> memref<1x128xf32, #tpu.memory_space<vmem>>
    %dma_wait3A_327 = tpu.memref_squeeze %dma_wait3A_326 : memref<1x128xf32, #tpu.memory_space<vmem>> -> memref<128xf32, #tpu.memory_space<vmem>>
    %dma_wait3A_328 = arith.constant 0 : i32
    %dma_wait3A_329 = tpu.memref_slice %arg3[%dma_wait3A_328] : memref<1000000xf32, #tpu.memory_space<hbm>> -> memref<128xf32, #tpu.memory_space<hbm>>
    %dma_wait3A_330 = arith.constant 0 : i32
    %dma_wait3A_331 = tpu.memref_slice %arg6[%dma_wait3A_324, %dma_wait3A_330] : memref<50x128xf32, #tpu.memory_space<vmem>> -> memref<1x128xf32, #tpu.memory_space<vmem>>
    %dma_wait3A_332 = tpu.memref_squeeze %dma_wait3A_331 : memref<1x128xf32, #tpu.memory_space<vmem>> -> memref<128xf32, #tpu.memory_space<vmem>>
    %dma_wait3A_333 = arith.constant 0 : i32
    %dma_wait3A_334 = tpu.memref_slice %arg3[%dma_wait3A_333] : memref<1000000xf32, #tpu.memory_space<hbm>> -> memref<128xf32, #tpu.memory_space<hbm>>
    tpu.wait_dma2 semaphore(%arg8 : memref<!tpu.dma_semaphore, #tpu.memory_space<semaphore_mem>>) src(%dma_wait3A_334 : memref<128xf32, #tpu.memory_space<hbm>>) dst(%dma_wait3A_332 : memref<128xf32, #tpu.memory_space<vmem>>)
    %dma_wait3A_335 = arith.constant 0 : i32
    %dma_wait3A_336 = arith.constant 0 : i32
    %dma_wait3A_337 = tpu.memref_slice %arg6[%dma_wait3A_335, %dma_wait3A_336] : memref<50x128xf32, #tpu.memory_space<vmem>> -> memref<1x128xf32, #tpu.memory_space<vmem>>
    %dma_wait3A_338 = tpu.memref_squeeze %dma_wait3A_337 : memref<1x128xf32, #tpu.memory_space<vmem>> -> memref<128xf32, #tpu.memory_space<vmem>>
    %dma_wait3A_339 = arith.constant 0 : i32
    %dma_wait3A_340 = tpu.memref_slice %arg3[%dma_wait3A_339] : memref<1000000xf32, #tpu.memory_space<hbm>> -> memref<128xf32, #tpu.memory_space<hbm>>
    %dma_wait3A_341 = arith.constant 0 : i32
    %dma_wait3A_342 = tpu.memref_slice %arg6[%dma_wait3A_335, %dma_wait3A_341] : memref<50x128xf32, #tpu.memory_space<vmem>> -> memref<1x128xf32, #tpu.memory_space<vmem>>
    %dma_wait3A_343 = tpu.memref_squeeze %dma_wait3A_342 : memref<1x128xf32, #tpu.memory_space<vmem>> -> memref<128xf32, #tpu.memory_space<vmem>>
    %dma_wait3A_344 = arith.constant 0 : i32
    %dma_wait3A_345 = tpu.memref_slice %arg3[%dma_wait3A_344] : memref<1000000xf32, #tpu.memory_space<hbm>> -> memref<128xf32, #tpu.memory_space<hbm>>
    tpu.wait_dma2 semaphore(%arg8 : memref<!tpu.dma_semaphore, #tpu.memory_space<semaphore_mem>>) src(%dma_wait3A_345 : memref<128xf32, #tpu.memory_space<hbm>>) dst(%dma_wait3A_343 : memref<128xf32, #tpu.memory_space<vmem>>)
    %dma_wait3A_346 = arith.constant 0 : i32
    %dma_wait3A_347 = arith.constant 0 : i32
    %dma_wait3A_348 = tpu.memref_slice %arg6[%dma_wait3A_346, %dma_wait3A_347] : memref<50x128xf32, #tpu.memory_space<vmem>> -> memref<1x128xf32, #tpu.memory_space<vmem>>
    %dma_wait3A_349 = tpu.memref_squeeze %dma_wait3A_348 : memref<1x128xf32, #tpu.memory_space<vmem>> -> memref<128xf32, #tpu.memory_space<vmem>>
    %dma_wait3A_350 = arith.constant 0 : i32
    %dma_wait3A_351 = tpu.memref_slice %arg3[%dma_wait3A_350] : memref<1000000xf32, #tpu.memory_space<hbm>> -> memref<128xf32, #tpu.memory_space<hbm>>
    %dma_wait3A_352 = arith.constant 0 : i32
    %dma_wait3A_353 = tpu.memref_slice %arg6[%dma_wait3A_346, %dma_wait3A_352] : memref<50x128xf32, #tpu.memory_space<vmem>> -> memref<1x128xf32, #tpu.memory_space<vmem>>
    %dma_wait3A_354 = tpu.memref_squeeze %dma_wait3A_353 : memref<1x128xf32, #tpu.memory_space<vmem>> -> memref<128xf32, #tpu.memory_space<vmem>>
    %dma_wait3A_355 = arith.constant 0 : i32
    %dma_wait3A_356 = tpu.memref_slice %arg3[%dma_wait3A_355] : memref<1000000xf32, #tpu.memory_space<hbm>> -> memref<128xf32, #tpu.memory_space<hbm>>
    tpu.wait_dma2 semaphore(%arg8 : memref<!tpu.dma_semaphore, #tpu.memory_space<semaphore_mem>>) src(%dma_wait3A_356 : memref<128xf32, #tpu.memory_space<hbm>>) dst(%dma_wait3A_354 : memref<128xf32, #tpu.memory_space<vmem>>)
    %dma_wait3A_357 = arith.constant 0 : i32
    %dma_wait3A_358 = arith.constant 0 : i32
    %dma_wait3A_359 = tpu.memref_slice %arg6[%dma_wait3A_357, %dma_wait3A_358] : memref<50x128xf32, #tpu.memory_space<vmem>> -> memref<1x128xf32, #tpu.memory_space<vmem>>
    %dma_wait3A_360 = tpu.memref_squeeze %dma_wait3A_359 : memref<1x128xf32, #tpu.memory_space<vmem>> -> memref<128xf32, #tpu.memory_space<vmem>>
    %dma_wait3A_361 = arith.constant 0 : i32
    %dma_wait3A_362 = tpu.memref_slice %arg3[%dma_wait3A_361] : memref<1000000xf32, #tpu.memory_space<hbm>> -> memref<128xf32, #tpu.memory_space<hbm>>
    %dma_wait3A_363 = arith.constant 0 : i32
    %dma_wait3A_364 = tpu.memref_slice %arg6[%dma_wait3A_357, %dma_wait3A_363] : memref<50x128xf32, #tpu.memory_space<vmem>> -> memref<1x128xf32, #tpu.memory_space<vmem>>
    %dma_wait3A_365 = tpu.memref_squeeze %dma_wait3A_364 : memref<1x128xf32, #tpu.memory_space<vmem>> -> memref<128xf32, #tpu.memory_space<vmem>>
    %dma_wait3A_366 = arith.constant 0 : i32
    %dma_wait3A_367 = tpu.memref_slice %arg3[%dma_wait3A_366] : memref<1000000xf32, #tpu.memory_space<hbm>> -> memref<128xf32, #tpu.memory_space<hbm>>
    tpu.wait_dma2 semaphore(%arg8 : memref<!tpu.dma_semaphore, #tpu.memory_space<semaphore_mem>>) src(%dma_wait3A_367 : memref<128xf32, #tpu.memory_space<hbm>>) dst(%dma_wait3A_365 : memref<128xf32, #tpu.memory_space<vmem>>)
    %dma_wait3A_368 = arith.constant 0 : i32
    %dma_wait3A_369 = arith.constant 0 : i32
    %dma_wait3A_370 = tpu.memref_slice %arg6[%dma_wait3A_368, %dma_wait3A_369] : memref<50x128xf32, #tpu.memory_space<vmem>> -> memref<1x128xf32, #tpu.memory_space<vmem>>
    %dma_wait3A_371 = tpu.memref_squeeze %dma_wait3A_370 : memref<1x128xf32, #tpu.memory_space<vmem>> -> memref<128xf32, #tpu.memory_space<vmem>>
    %dma_wait3A_372 = arith.constant 0 : i32
    %dma_wait3A_373 = tpu.memref_slice %arg3[%dma_wait3A_372] : memref<1000000xf32, #tpu.memory_space<hbm>> -> memref<128xf32, #tpu.memory_space<hbm>>
    %dma_wait3A_374 = arith.constant 0 : i32
    %dma_wait3A_375 = tpu.memref_slice %arg6[%dma_wait3A_368, %dma_wait3A_374] : memref<50x128xf32, #tpu.memory_space<vmem>> -> memref<1x128xf32, #tpu.memory_space<vmem>>
    %dma_wait3A_376 = tpu.memref_squeeze %dma_wait3A_375 : memref<1x128xf32, #tpu.memory_space<vmem>> -> memref<128xf32, #tpu.memory_space<vmem>>
    %dma_wait3A_377 = arith.constant 0 : i32
    %dma_wait3A_378 = tpu.memref_slice %arg3[%dma_wait3A_377] : memref<1000000xf32, #tpu.memory_space<hbm>> -> memref<128xf32, #tpu.memory_space<hbm>>
    tpu.wait_dma2 semaphore(%arg8 : memref<!tpu.dma_semaphore, #tpu.memory_space<semaphore_mem>>) src(%dma_wait3A_378 : memref<128xf32, #tpu.memory_space<hbm>>) dst(%dma_wait3A_376 : memref<128xf32, #tpu.memory_space<vmem>>)
    %dma_wait3A_379 = arith.constant 0 : i32
    %dma_wait3A_380 = arith.constant 0 : i32
    %dma_wait3A_381 = tpu.memref_slice %arg6[%dma_wait3A_379, %dma_wait3A_380] : memref<50x128xf32, #tpu.memory_space<vmem>> -> memref<1x128xf32, #tpu.memory_space<vmem>>
    %dma_wait3A_382 = tpu.memref_squeeze %dma_wait3A_381 : memref<1x128xf32, #tpu.memory_space<vmem>> -> memref<128xf32, #tpu.memory_space<vmem>>
    %dma_wait3A_383 = arith.constant 0 : i32
    %dma_wait3A_384 = tpu.memref_slice %arg3[%dma_wait3A_383] : memref<1000000xf32, #tpu.memory_space<hbm>> -> memref<128xf32, #tpu.memory_space<hbm>>
    %dma_wait3A_385 = arith.constant 0 : i32
    %dma_wait3A_386 = tpu.memref_slice %arg6[%dma_wait3A_379, %dma_wait3A_385] : memref<50x128xf32, #tpu.memory_space<vmem>> -> memref<1x128xf32, #tpu.memory_space<vmem>>
    %dma_wait3A_387 = tpu.memref_squeeze %dma_wait3A_386 : memref<1x128xf32, #tpu.memory_space<vmem>> -> memref<128xf32, #tpu.memory_space<vmem>>
    %dma_wait3A_388 = arith.constant 0 : i32
    %dma_wait3A_389 = tpu.memref_slice %arg3[%dma_wait3A_388] : memref<1000000xf32, #tpu.memory_space<hbm>> -> memref<128xf32, #tpu.memory_space<hbm>>
    tpu.wait_dma2 semaphore(%arg8 : memref<!tpu.dma_semaphore, #tpu.memory_space<semaphore_mem>>) src(%dma_wait3A_389 : memref<128xf32, #tpu.memory_space<hbm>>) dst(%dma_wait3A_387 : memref<128xf32, #tpu.memory_space<vmem>>)
    %dma_wait3A_390 = arith.constant 0 : i32
    %dma_wait3A_391 = arith.constant 0 : i32
    %dma_wait3A_392 = tpu.memref_slice %arg6[%dma_wait3A_390, %dma_wait3A_391] : memref<50x128xf32, #tpu.memory_space<vmem>> -> memref<1x128xf32, #tpu.memory_space<vmem>>
    %dma_wait3A_393 = tpu.memref_squeeze %dma_wait3A_392 : memref<1x128xf32, #tpu.memory_space<vmem>> -> memref<128xf32, #tpu.memory_space<vmem>>
    %dma_wait3A_394 = arith.constant 0 : i32
    %dma_wait3A_395 = tpu.memref_slice %arg3[%dma_wait3A_394] : memref<1000000xf32, #tpu.memory_space<hbm>> -> memref<128xf32, #tpu.memory_space<hbm>>
    %dma_wait3A_396 = arith.constant 0 : i32
    %dma_wait3A_397 = tpu.memref_slice %arg6[%dma_wait3A_390, %dma_wait3A_396] : memref<50x128xf32, #tpu.memory_space<vmem>> -> memref<1x128xf32, #tpu.memory_space<vmem>>
    %dma_wait3A_398 = tpu.memref_squeeze %dma_wait3A_397 : memref<1x128xf32, #tpu.memory_space<vmem>> -> memref<128xf32, #tpu.memory_space<vmem>>
    %dma_wait3A_399 = arith.constant 0 : i32
    %dma_wait3A_400 = tpu.memref_slice %arg3[%dma_wait3A_399] : memref<1000000xf32, #tpu.memory_space<hbm>> -> memref<128xf32, #tpu.memory_space<hbm>>
    tpu.wait_dma2 semaphore(%arg8 : memref<!tpu.dma_semaphore, #tpu.memory_space<semaphore_mem>>) src(%dma_wait3A_400 : memref<128xf32, #tpu.memory_space<hbm>>) dst(%dma_wait3A_398 : memref<128xf32, #tpu.memory_space<vmem>>)
    %dma_wait3A_401 = arith.constant 0 : i32
    %dma_wait3A_402 = arith.constant 0 : i32
    %dma_wait3A_403 = tpu.memref_slice %arg6[%dma_wait3A_401, %dma_wait3A_402] : memref<50x128xf32, #tpu.memory_space<vmem>> -> memref<1x128xf32, #tpu.memory_space<vmem>>
    %dma_wait3A_404 = tpu.memref_squeeze %dma_wait3A_403 : memref<1x128xf32, #tpu.memory_space<vmem>> -> memref<128xf32, #tpu.memory_space<vmem>>
    %dma_wait3A_405 = arith.constant 0 : i32
    %dma_wait3A_406 = tpu.memref_slice %arg3[%dma_wait3A_405] : memref<1000000xf32, #tpu.memory_space<hbm>> -> memref<128xf32, #tpu.memory_space<hbm>>
    %dma_wait3A_407 = arith.constant 0 : i32
    %dma_wait3A_408 = tpu.memref_slice %arg6[%dma_wait3A_401, %dma_wait3A_407] : memref<50x128xf32, #tpu.memory_space<vmem>> -> memref<1x128xf32, #tpu.memory_space<vmem>>
    %dma_wait3A_409 = tpu.memref_squeeze %dma_wait3A_408 : memref<1x128xf32, #tpu.memory_space<vmem>> -> memref<128xf32, #tpu.memory_space<vmem>>
    %dma_wait3A_410 = arith.constant 0 : i32
    %dma_wait3A_411 = tpu.memref_slice %arg3[%dma_wait3A_410] : memref<1000000xf32, #tpu.memory_space<hbm>> -> memref<128xf32, #tpu.memory_space<hbm>>
    tpu.wait_dma2 semaphore(%arg8 : memref<!tpu.dma_semaphore, #tpu.memory_space<semaphore_mem>>) src(%dma_wait3A_411 : memref<128xf32, #tpu.memory_space<hbm>>) dst(%dma_wait3A_409 : memref<128xf32, #tpu.memory_space<vmem>>)
    %dma_wait3A_412 = arith.constant 0 : i32
    %dma_wait3A_413 = arith.constant 0 : i32
    %dma_wait3A_414 = tpu.memref_slice %arg6[%dma_wait3A_412, %dma_wait3A_413] : memref<50x128xf32, #tpu.memory_space<vmem>> -> memref<1x128xf32, #tpu.memory_space<vmem>>
    %dma_wait3A_415 = tpu.memref_squeeze %dma_wait3A_414 : memref<1x128xf32, #tpu.memory_space<vmem>> -> memref<128xf32, #tpu.memory_space<vmem>>
    %dma_wait3A_416 = arith.constant 0 : i32
    %dma_wait3A_417 = tpu.memref_slice %arg3[%dma_wait3A_416] : memref<1000000xf32, #tpu.memory_space<hbm>> -> memref<128xf32, #tpu.memory_space<hbm>>
    %dma_wait3A_418 = arith.constant 0 : i32
    %dma_wait3A_419 = tpu.memref_slice %arg6[%dma_wait3A_412, %dma_wait3A_418] : memref<50x128xf32, #tpu.memory_space<vmem>> -> memref<1x128xf32, #tpu.memory_space<vmem>>
    %dma_wait3A_420 = tpu.memref_squeeze %dma_wait3A_419 : memref<1x128xf32, #tpu.memory_space<vmem>> -> memref<128xf32, #tpu.memory_space<vmem>>
    %dma_wait3A_421 = arith.constant 0 : i32
    %dma_wait3A_422 = tpu.memref_slice %arg3[%dma_wait3A_421] : memref<1000000xf32, #tpu.memory_space<hbm>> -> memref<128xf32, #tpu.memory_space<hbm>>
    tpu.wait_dma2 semaphore(%arg8 : memref<!tpu.dma_semaphore, #tpu.memory_space<semaphore_mem>>) src(%dma_wait3A_422 : memref<128xf32, #tpu.memory_space<hbm>>) dst(%dma_wait3A_420 : memref<128xf32, #tpu.memory_space<vmem>>)
    %dma_wait3A_423 = arith.constant 0 : i32
    %dma_wait3A_424 = arith.constant 0 : i32
    %dma_wait3A_425 = tpu.memref_slice %arg6[%dma_wait3A_423, %dma_wait3A_424] : memref<50x128xf32, #tpu.memory_space<vmem>> -> memref<1x128xf32, #tpu.memory_space<vmem>>
    %dma_wait3A_426 = tpu.memref_squeeze %dma_wait3A_425 : memref<1x128xf32, #tpu.memory_space<vmem>> -> memref<128xf32, #tpu.memory_space<vmem>>
    %dma_wait3A_427 = arith.constant 0 : i32
    %dma_wait3A_428 = tpu.memref_slice %arg3[%dma_wait3A_427] : memref<1000000xf32, #tpu.memory_space<hbm>> -> memref<128xf32, #tpu.memory_space<hbm>>
    %dma_wait3A_429 = arith.constant 0 : i32
    %dma_wait3A_430 = tpu.memref_slice %arg6[%dma_wait3A_423, %dma_wait3A_429] : memref<50x128xf32, #tpu.memory_space<vmem>> -> memref<1x128xf32, #tpu.memory_space<vmem>>
    %dma_wait3A_431 = tpu.memref_squeeze %dma_wait3A_430 : memref<1x128xf32, #tpu.memory_space<vmem>> -> memref<128xf32, #tpu.memory_space<vmem>>
    %dma_wait3A_432 = arith.constant 0 : i32
    %dma_wait3A_433 = tpu.memref_slice %arg3[%dma_wait3A_432] : memref<1000000xf32, #tpu.memory_space<hbm>> -> memref<128xf32, #tpu.memory_space<hbm>>
    tpu.wait_dma2 semaphore(%arg8 : memref<!tpu.dma_semaphore, #tpu.memory_space<semaphore_mem>>) src(%dma_wait3A_433 : memref<128xf32, #tpu.memory_space<hbm>>) dst(%dma_wait3A_431 : memref<128xf32, #tpu.memory_space<vmem>>)
    %dma_wait3A_434 = arith.constant 0 : i32
    %dma_wait3A_435 = arith.constant 0 : i32
    %dma_wait3A_436 = tpu.memref_slice %arg6[%dma_wait3A_434, %dma_wait3A_435] : memref<50x128xf32, #tpu.memory_space<vmem>> -> memref<1x128xf32, #tpu.memory_space<vmem>>
    %dma_wait3A_437 = tpu.memref_squeeze %dma_wait3A_436 : memref<1x128xf32, #tpu.memory_space<vmem>> -> memref<128xf32, #tpu.memory_space<vmem>>
    %dma_wait3A_438 = arith.constant 0 : i32
    %dma_wait3A_439 = tpu.memref_slice %arg3[%dma_wait3A_438] : memref<1000000xf32, #tpu.memory_space<hbm>> -> memref<128xf32, #tpu.memory_space<hbm>>
    %dma_wait3A_440 = arith.constant 0 : i32
    %dma_wait3A_441 = tpu.memref_slice %arg6[%dma_wait3A_434, %dma_wait3A_440] : memref<50x128xf32, #tpu.memory_space<vmem>> -> memref<1x128xf32, #tpu.memory_space<vmem>>
    %dma_wait3A_442 = tpu.memref_squeeze %dma_wait3A_441 : memref<1x128xf32, #tpu.memory_space<vmem>> -> memref<128xf32, #tpu.memory_space<vmem>>
    %dma_wait3A_443 = arith.constant 0 : i32
    %dma_wait3A_444 = tpu.memref_slice %arg3[%dma_wait3A_443] : memref<1000000xf32, #tpu.memory_space<hbm>> -> memref<128xf32, #tpu.memory_space<hbm>>
    tpu.wait_dma2 semaphore(%arg8 : memref<!tpu.dma_semaphore, #tpu.memory_space<semaphore_mem>>) src(%dma_wait3A_444 : memref<128xf32, #tpu.memory_space<hbm>>) dst(%dma_wait3A_442 : memref<128xf32, #tpu.memory_space<vmem>>)
    %dma_wait3A_445 = arith.constant 0 : i32
    %dma_wait3A_446 = arith.constant 0 : i32
    %dma_wait3A_447 = tpu.memref_slice %arg6[%dma_wait3A_445, %dma_wait3A_446] : memref<50x128xf32, #tpu.memory_space<vmem>> -> memref<1x128xf32, #tpu.memory_space<vmem>>
    %dma_wait3A_448 = tpu.memref_squeeze %dma_wait3A_447 : memref<1x128xf32, #tpu.memory_space<vmem>> -> memref<128xf32, #tpu.memory_space<vmem>>
    %dma_wait3A_449 = arith.constant 0 : i32
    %dma_wait3A_450 = tpu.memref_slice %arg3[%dma_wait3A_449] : memref<1000000xf32, #tpu.memory_space<hbm>> -> memref<128xf32, #tpu.memory_space<hbm>>
    %dma_wait3A_451 = arith.constant 0 : i32
    %dma_wait3A_452 = tpu.memref_slice %arg6[%dma_wait3A_445, %dma_wait3A_451] : memref<50x128xf32, #tpu.memory_space<vmem>> -> memref<1x128xf32, #tpu.memory_space<vmem>>
    %dma_wait3A_453 = tpu.memref_squeeze %dma_wait3A_452 : memref<1x128xf32, #tpu.memory_space<vmem>> -> memref<128xf32, #tpu.memory_space<vmem>>
    %dma_wait3A_454 = arith.constant 0 : i32
    %dma_wait3A_455 = tpu.memref_slice %arg3[%dma_wait3A_454] : memref<1000000xf32, #tpu.memory_space<hbm>> -> memref<128xf32, #tpu.memory_space<hbm>>
    tpu.wait_dma2 semaphore(%arg8 : memref<!tpu.dma_semaphore, #tpu.memory_space<semaphore_mem>>) src(%dma_wait3A_455 : memref<128xf32, #tpu.memory_space<hbm>>) dst(%dma_wait3A_453 : memref<128xf32, #tpu.memory_space<vmem>>)
    %dma_wait3A_456 = arith.constant 0 : i32
    %dma_wait3A_457 = arith.constant 0 : i32
    %dma_wait3A_458 = tpu.memref_slice %arg6[%dma_wait3A_456, %dma_wait3A_457] : memref<50x128xf32, #tpu.memory_space<vmem>> -> memref<1x128xf32, #tpu.memory_space<vmem>>
    %dma_wait3A_459 = tpu.memref_squeeze %dma_wait3A_458 : memref<1x128xf32, #tpu.memory_space<vmem>> -> memref<128xf32, #tpu.memory_space<vmem>>
    %dma_wait3A_460 = arith.constant 0 : i32
    %dma_wait3A_461 = tpu.memref_slice %arg3[%dma_wait3A_460] : memref<1000000xf32, #tpu.memory_space<hbm>> -> memref<128xf32, #tpu.memory_space<hbm>>
    %dma_wait3A_462 = arith.constant 0 : i32
    %dma_wait3A_463 = tpu.memref_slice %arg6[%dma_wait3A_456, %dma_wait3A_462] : memref<50x128xf32, #tpu.memory_space<vmem>> -> memref<1x128xf32, #tpu.memory_space<vmem>>
    %dma_wait3A_464 = tpu.memref_squeeze %dma_wait3A_463 : memref<1x128xf32, #tpu.memory_space<vmem>> -> memref<128xf32, #tpu.memory_space<vmem>>
    %dma_wait3A_465 = arith.constant 0 : i32
    %dma_wait3A_466 = tpu.memref_slice %arg3[%dma_wait3A_465] : memref<1000000xf32, #tpu.memory_space<hbm>> -> memref<128xf32, #tpu.memory_space<hbm>>
    tpu.wait_dma2 semaphore(%arg8 : memref<!tpu.dma_semaphore, #tpu.memory_space<semaphore_mem>>) src(%dma_wait3A_466 : memref<128xf32, #tpu.memory_space<hbm>>) dst(%dma_wait3A_464 : memref<128xf32, #tpu.memory_space<vmem>>)
    %dma_wait3A_467 = arith.constant 0 : i32
    %dma_wait3A_468 = arith.constant 0 : i32
    %dma_wait3A_469 = tpu.memref_slice %arg6[%dma_wait3A_467, %dma_wait3A_468] : memref<50x128xf32, #tpu.memory_space<vmem>> -> memref<1x128xf32, #tpu.memory_space<vmem>>
    %dma_wait3A_470 = tpu.memref_squeeze %dma_wait3A_469 : memref<1x128xf32, #tpu.memory_space<vmem>> -> memref<128xf32, #tpu.memory_space<vmem>>
    %dma_wait3A_471 = arith.constant 0 : i32
    %dma_wait3A_472 = tpu.memref_slice %arg3[%dma_wait3A_471] : memref<1000000xf32, #tpu.memory_space<hbm>> -> memref<128xf32, #tpu.memory_space<hbm>>
    %dma_wait3A_473 = arith.constant 0 : i32
    %dma_wait3A_474 = tpu.memref_slice %arg6[%dma_wait3A_467, %dma_wait3A_473] : memref<50x128xf32, #tpu.memory_space<vmem>> -> memref<1x128xf32, #tpu.memory_space<vmem>>
    %dma_wait3A_475 = tpu.memref_squeeze %dma_wait3A_474 : memref<1x128xf32, #tpu.memory_space<vmem>> -> memref<128xf32, #tpu.memory_space<vmem>>
    %dma_wait3A_476 = arith.constant 0 : i32
    %dma_wait3A_477 = tpu.memref_slice %arg3[%dma_wait3A_476] : memref<1000000xf32, #tpu.memory_space<hbm>> -> memref<128xf32, #tpu.memory_space<hbm>>
    tpu.wait_dma2 semaphore(%arg8 : memref<!tpu.dma_semaphore, #tpu.memory_space<semaphore_mem>>) src(%dma_wait3A_477 : memref<128xf32, #tpu.memory_space<hbm>>) dst(%dma_wait3A_475 : memref<128xf32, #tpu.memory_space<vmem>>)
    %dma_wait3A_478 = arith.constant 0 : i32
    %dma_wait3A_479 = arith.constant 0 : i32
    %dma_wait3A_480 = tpu.memref_slice %arg6[%dma_wait3A_478, %dma_wait3A_479] : memref<50x128xf32, #tpu.memory_space<vmem>> -> memref<1x128xf32, #tpu.memory_space<vmem>>
    %dma_wait3A_481 = tpu.memref_squeeze %dma_wait3A_480 : memref<1x128xf32, #tpu.memory_space<vmem>> -> memref<128xf32, #tpu.memory_space<vmem>>
    %dma_wait3A_482 = arith.constant 0 : i32
    %dma_wait3A_483 = tpu.memref_slice %arg3[%dma_wait3A_482] : memref<1000000xf32, #tpu.memory_space<hbm>> -> memref<128xf32, #tpu.memory_space<hbm>>
    %dma_wait3A_484 = arith.constant 0 : i32
    %dma_wait3A_485 = tpu.memref_slice %arg6[%dma_wait3A_478, %dma_wait3A_484] : memref<50x128xf32, #tpu.memory_space<vmem>> -> memref<1x128xf32, #tpu.memory_space<vmem>>
    %dma_wait3A_486 = tpu.memref_squeeze %dma_wait3A_485 : memref<1x128xf32, #tpu.memory_space<vmem>> -> memref<128xf32, #tpu.memory_space<vmem>>
    %dma_wait3A_487 = arith.constant 0 : i32
    %dma_wait3A_488 = tpu.memref_slice %arg3[%dma_wait3A_487] : memref<1000000xf32, #tpu.memory_space<hbm>> -> memref<128xf32, #tpu.memory_space<hbm>>
    tpu.wait_dma2 semaphore(%arg8 : memref<!tpu.dma_semaphore, #tpu.memory_space<semaphore_mem>>) src(%dma_wait3A_488 : memref<128xf32, #tpu.memory_space<hbm>>) dst(%dma_wait3A_486 : memref<128xf32, #tpu.memory_space<vmem>>)
    %dma_wait3A_489 = arith.constant 0 : i32
    %dma_wait3A_490 = arith.constant 0 : i32
    %dma_wait3A_491 = tpu.memref_slice %arg6[%dma_wait3A_489, %dma_wait3A_490] : memref<50x128xf32, #tpu.memory_space<vmem>> -> memref<1x128xf32, #tpu.memory_space<vmem>>
    %dma_wait3A_492 = tpu.memref_squeeze %dma_wait3A_491 : memref<1x128xf32, #tpu.memory_space<vmem>> -> memref<128xf32, #tpu.memory_space<vmem>>
    %dma_wait3A_493 = arith.constant 0 : i32
    %dma_wait3A_494 = tpu.memref_slice %arg3[%dma_wait3A_493] : memref<1000000xf32, #tpu.memory_space<hbm>> -> memref<128xf32, #tpu.memory_space<hbm>>
    %dma_wait3A_495 = arith.constant 0 : i32
    %dma_wait3A_496 = tpu.memref_slice %arg6[%dma_wait3A_489, %dma_wait3A_495] : memref<50x128xf32, #tpu.memory_space<vmem>> -> memref<1x128xf32, #tpu.memory_space<vmem>>
    %dma_wait3A_497 = tpu.memref_squeeze %dma_wait3A_496 : memref<1x128xf32, #tpu.memory_space<vmem>> -> memref<128xf32, #tpu.memory_space<vmem>>
    %dma_wait3A_498 = arith.constant 0 : i32
    %dma_wait3A_499 = tpu.memref_slice %arg3[%dma_wait3A_498] : memref<1000000xf32, #tpu.memory_space<hbm>> -> memref<128xf32, #tpu.memory_space<hbm>>
    tpu.wait_dma2 semaphore(%arg8 : memref<!tpu.dma_semaphore, #tpu.memory_space<semaphore_mem>>) src(%dma_wait3A_499 : memref<128xf32, #tpu.memory_space<hbm>>) dst(%dma_wait3A_497 : memref<128xf32, #tpu.memory_space<vmem>>)
    %dma_wait3A_500 = arith.constant 0 : i32
    %dma_wait3A_501 = arith.constant 0 : i32
    %dma_wait3A_502 = tpu.memref_slice %arg6[%dma_wait3A_500, %dma_wait3A_501] : memref<50x128xf32, #tpu.memory_space<vmem>> -> memref<1x128xf32, #tpu.memory_space<vmem>>
    %dma_wait3A_503 = tpu.memref_squeeze %dma_wait3A_502 : memref<1x128xf32, #tpu.memory_space<vmem>> -> memref<128xf32, #tpu.memory_space<vmem>>
    %dma_wait3A_504 = arith.constant 0 : i32
    %dma_wait3A_505 = tpu.memref_slice %arg3[%dma_wait3A_504] : memref<1000000xf32, #tpu.memory_space<hbm>> -> memref<128xf32, #tpu.memory_space<hbm>>
    %dma_wait3A_506 = arith.constant 0 : i32
    %dma_wait3A_507 = tpu.memref_slice %arg6[%dma_wait3A_500, %dma_wait3A_506] : memref<50x128xf32, #tpu.memory_space<vmem>> -> memref<1x128xf32, #tpu.memory_space<vmem>>
    %dma_wait3A_508 = tpu.memref_squeeze %dma_wait3A_507 : memref<1x128xf32, #tpu.memory_space<vmem>> -> memref<128xf32, #tpu.memory_space<vmem>>
    %dma_wait3A_509 = arith.constant 0 : i32
    %dma_wait3A_510 = tpu.memref_slice %arg3[%dma_wait3A_509] : memref<1000000xf32, #tpu.memory_space<hbm>> -> memref<128xf32, #tpu.memory_space<hbm>>
    tpu.wait_dma2 semaphore(%arg8 : memref<!tpu.dma_semaphore, #tpu.memory_space<semaphore_mem>>) src(%dma_wait3A_510 : memref<128xf32, #tpu.memory_space<hbm>>) dst(%dma_wait3A_508 : memref<128xf32, #tpu.memory_space<vmem>>)
    %dma_wait3A_511 = arith.constant 0 : i32
    %dma_wait3A_512 = arith.constant 0 : i32
    %dma_wait3A_513 = tpu.memref_slice %arg6[%dma_wait3A_511, %dma_wait3A_512] : memref<50x128xf32, #tpu.memory_space<vmem>> -> memref<1x128xf32, #tpu.memory_space<vmem>>
    %dma_wait3A_514 = tpu.memref_squeeze %dma_wait3A_513 : memref<1x128xf32, #tpu.memory_space<vmem>> -> memref<128xf32, #tpu.memory_space<vmem>>
    %dma_wait3A_515 = arith.constant 0 : i32
    %dma_wait3A_516 = tpu.memref_slice %arg3[%dma_wait3A_515] : memref<1000000xf32, #tpu.memory_space<hbm>> -> memref<128xf32, #tpu.memory_space<hbm>>
    %dma_wait3A_517 = arith.constant 0 : i32
    %dma_wait3A_518 = tpu.memref_slice %arg6[%dma_wait3A_511, %dma_wait3A_517] : memref<50x128xf32, #tpu.memory_space<vmem>> -> memref<1x128xf32, #tpu.memory_space<vmem>>
    %dma_wait3A_519 = tpu.memref_squeeze %dma_wait3A_518 : memref<1x128xf32, #tpu.memory_space<vmem>> -> memref<128xf32, #tpu.memory_space<vmem>>
    %dma_wait3A_520 = arith.constant 0 : i32
    %dma_wait3A_521 = tpu.memref_slice %arg3[%dma_wait3A_520] : memref<1000000xf32, #tpu.memory_space<hbm>> -> memref<128xf32, #tpu.memory_space<hbm>>
    tpu.wait_dma2 semaphore(%arg8 : memref<!tpu.dma_semaphore, #tpu.memory_space<semaphore_mem>>) src(%dma_wait3A_521 : memref<128xf32, #tpu.memory_space<hbm>>) dst(%dma_wait3A_519 : memref<128xf32, #tpu.memory_space<vmem>>)
    %dma_wait3A_522 = arith.constant 0 : i32
    %dma_wait3A_523 = arith.constant 0 : i32
    %dma_wait3A_524 = tpu.memref_slice %arg6[%dma_wait3A_522, %dma_wait3A_523] : memref<50x128xf32, #tpu.memory_space<vmem>> -> memref<1x128xf32, #tpu.memory_space<vmem>>
    %dma_wait3A_525 = tpu.memref_squeeze %dma_wait3A_524 : memref<1x128xf32, #tpu.memory_space<vmem>> -> memref<128xf32, #tpu.memory_space<vmem>>
    %dma_wait3A_526 = arith.constant 0 : i32
    %dma_wait3A_527 = tpu.memref_slice %arg3[%dma_wait3A_526] : memref<1000000xf32, #tpu.memory_space<hbm>> -> memref<128xf32, #tpu.memory_space<hbm>>
    %dma_wait3A_528 = arith.constant 0 : i32
    %dma_wait3A_529 = tpu.memref_slice %arg6[%dma_wait3A_522, %dma_wait3A_528] : memref<50x128xf32, #tpu.memory_space<vmem>> -> memref<1x128xf32, #tpu.memory_space<vmem>>
    %dma_wait3A_530 = tpu.memref_squeeze %dma_wait3A_529 : memref<1x128xf32, #tpu.memory_space<vmem>> -> memref<128xf32, #tpu.memory_space<vmem>>
    %dma_wait3A_531 = arith.constant 0 : i32
    %dma_wait3A_532 = tpu.memref_slice %arg3[%dma_wait3A_531] : memref<1000000xf32, #tpu.memory_space<hbm>> -> memref<128xf32, #tpu.memory_space<hbm>>
    tpu.wait_dma2 semaphore(%arg8 : memref<!tpu.dma_semaphore, #tpu.memory_space<semaphore_mem>>) src(%dma_wait3A_532 : memref<128xf32, #tpu.memory_space<hbm>>) dst(%dma_wait3A_530 : memref<128xf32, #tpu.memory_space<vmem>>)
    %dma_wait3A_533 = arith.constant 0 : i32
    %dma_wait3A_534 = arith.constant 0 : i32
    %dma_wait3A_535 = tpu.memref_slice %arg6[%dma_wait3A_533, %dma_wait3A_534] : memref<50x128xf32, #tpu.memory_space<vmem>> -> memref<1x128xf32, #tpu.memory_space<vmem>>
    %dma_wait3A_536 = tpu.memref_squeeze %dma_wait3A_535 : memref<1x128xf32, #tpu.memory_space<vmem>> -> memref<128xf32, #tpu.memory_space<vmem>>
    %dma_wait3A_537 = arith.constant 0 : i32
    %dma_wait3A_538 = tpu.memref_slice %arg3[%dma_wait3A_537] : memref<1000000xf32, #tpu.memory_space<hbm>> -> memref<128xf32, #tpu.memory_space<hbm>>
    %dma_wait3A_539 = arith.constant 0 : i32
    %dma_wait3A_540 = tpu.memref_slice %arg6[%dma_wait3A_533, %dma_wait3A_539] : memref<50x128xf32, #tpu.memory_space<vmem>> -> memref<1x128xf32, #tpu.memory_space<vmem>>
    %dma_wait3A_541 = tpu.memref_squeeze %dma_wait3A_540 : memref<1x128xf32, #tpu.memory_space<vmem>> -> memref<128xf32, #tpu.memory_space<vmem>>
    %dma_wait3A_542 = arith.constant 0 : i32
    %dma_wait3A_543 = tpu.memref_slice %arg3[%dma_wait3A_542] : memref<1000000xf32, #tpu.memory_space<hbm>> -> memref<128xf32, #tpu.memory_space<hbm>>
    tpu.wait_dma2 semaphore(%arg8 : memref<!tpu.dma_semaphore, #tpu.memory_space<semaphore_mem>>) src(%dma_wait3A_543 : memref<128xf32, #tpu.memory_space<hbm>>) dst(%dma_wait3A_541 : memref<128xf32, #tpu.memory_space<vmem>>)
    %dma_wait3A_544 = arith.constant 0 : i32
    %dma_wait3A_545 = arith.constant 0 : i32
    %dma_wait3A_546 = tpu.memref_slice %arg6[%dma_wait3A_544, %dma_wait3A_545] : memref<50x128xf32, #tpu.memory_space<vmem>> -> memref<1x128xf32, #tpu.memory_space<vmem>>
    %dma_wait3A_547 = tpu.memref_squeeze %dma_wait3A_546 : memref<1x128xf32, #tpu.memory_space<vmem>> -> memref<128xf32, #tpu.memory_space<vmem>>
    %dma_wait3A_548 = arith.constant 0 : i32
    %dma_wait3A_549 = tpu.memref_slice %arg3[%dma_wait3A_548] : memref<1000000xf32, #tpu.memory_space<hbm>> -> memref<128xf32, #tpu.memory_space<hbm>>
    %dma_wait3A_550 = arith.constant 0 : i32
    %dma_wait3A_551 = tpu.memref_slice %arg6[%dma_wait3A_544, %dma_wait3A_550] : memref<50x128xf32, #tpu.memory_space<vmem>> -> memref<1x128xf32, #tpu.memory_space<vmem>>
    %dma_wait3A_552 = tpu.memref_squeeze %dma_wait3A_551 : memref<1x128xf32, #tpu.memory_space<vmem>> -> memref<128xf32, #tpu.memory_space<vmem>>
    %dma_wait3A_553 = arith.constant 0 : i32
    %dma_wait3A_554 = tpu.memref_slice %arg3[%dma_wait3A_553] : memref<1000000xf32, #tpu.memory_space<hbm>> -> memref<128xf32, #tpu.memory_space<hbm>>
    tpu.wait_dma2 semaphore(%arg8 : memref<!tpu.dma_semaphore, #tpu.memory_space<semaphore_mem>>) src(%dma_wait3A_554 : memref<128xf32, #tpu.memory_space<hbm>>) dst(%dma_wait3A_552 : memref<128xf32, #tpu.memory_space<vmem>>)
    %broadcast_in_dim3A = arith.constant 0.000000e+00 : f32
    %broadcast_in_dim3A_555 = vector.broadcast %broadcast_in_dim3A : f32 to vector<16xf32>
    %broadcast_in_dim3A_556 = arith.constant 0.000000e+00 : f32
    %broadcast_in_dim3A_557 = vector.broadcast %broadcast_in_dim3A_556 : f32 to vector<16xf32>
    %broadcast_in_dim3A_558 = arith.constant 0.000000e+00 : f32
    %broadcast_in_dim3A_559 = vector.broadcast %broadcast_in_dim3A_558 : f32 to vector<16xf32>
    %broadcast_in_dim3A_560 = arith.constant 0.000000e+00 : f32
    %broadcast_in_dim3A_561 = vector.broadcast %broadcast_in_dim3A_560 : f32 to vector<16xf32>
    %broadcast_in_dim3A_562 = arith.constant 0.000000e+00 : f32
    %broadcast_in_dim3A_563 = vector.broadcast %broadcast_in_dim3A_562 : f32 to vector<16xf32>
    %broadcast_in_dim3A_564 = arith.constant 0.000000e+00 : f32
    %broadcast_in_dim3A_565 = vector.broadcast %broadcast_in_dim3A_564 : f32 to vector<16xf32>
    %broadcast_in_dim3A_566 = arith.constant 0.000000e+00 : f32
    %broadcast_in_dim3A_567 = vector.broadcast %broadcast_in_dim3A_566 : f32 to vector<16xf32>
    %broadcast_in_dim3A_568 = arith.constant 0.000000e+00 : f32
    %broadcast_in_dim3A_569 = vector.broadcast %broadcast_in_dim3A_568 : f32 to vector<16xf32>
    %scan3A_570 = arith.constant 0 : i32
    %scan3A_571 = arith.constant 50 : i32
    %scan3A_572 = arith.addi %scan3A_570, %scan3A_571 : i32
    %scan3A_573 = arith.constant 1 : i32
    %scan3A_574:8 = scf.for %scan3A_593 = %scan3A_570 to %scan3A_572 step %scan3A_573 iter_args(%scan3A_594 = %broadcast_in_dim3A_555, %scan3A_595 = %broadcast_in_dim3A_557, %scan3A_596 = %broadcast_in_dim3A_559, %scan3A_597 = %broadcast_in_dim3A_561, %scan3A_598 = %broadcast_in_dim3A_563, %scan3A_599 = %broadcast_in_dim3A_565, %scan3A_600 = %broadcast_in_dim3A_567, %scan3A_601 = %broadcast_in_dim3A_569) -> (vector<16xf32>, vector<16xf32>, vector<16xf32>, vector<16xf32>, vector<16xf32>, vector<16xf32>, vector<16xf32>, vector<16xf32>)  : i32 {
      %get3A = arith.index_cast %scan3A_593 : i32 to index
      %get3A_602 = arith.constant 0 : index
      %get3A_603 = tpu.vector_load %arg6[%get3A, %get3A_602] {strides = array<i32>} : memref<50x128xf32, #tpu.memory_space<vmem>>, vector<16xf32>,
      %add3A_604 = arith.addf %scan3A_594, %get3A_603 : vector<16xf32>
      %get3A_605 = arith.index_cast %scan3A_593 : i32 to index
      %get3A_606 = arith.constant 16 : index
      %get3A_607 = tpu.vector_load %arg6[%get3A_605, %get3A_606] {strides = array<i32>} : memref<50x128xf32, #tpu.memory_space<vmem>>, vector<16xf32>,
      %add3A_608 = arith.addf %scan3A_595, %get3A_607 : vector<16xf32>
      %get3A_609 = arith.index_cast %scan3A_593 : i32 to index
      %get3A_610 = arith.constant 32 : index
      %get3A_611 = tpu.vector_load %arg6[%get3A_609, %get3A_610] {strides = array<i32>} : memref<50x128xf32, #tpu.memory_space<vmem>>, vector<16xf32>,
      %add3A_612 = arith.addf %scan3A_596, %get3A_611 : vector<16xf32>
      %get3A_613 = arith.index_cast %scan3A_593 : i32 to index
      %get3A_614 = arith.constant 48 : index
      %get3A_615 = tpu.vector_load %arg6[%get3A_613, %get3A_614] {strides = array<i32>} : memref<50x128xf32, #tpu.memory_space<vmem>>, vector<16xf32>,
      %add3A_616 = arith.addf %scan3A_597, %get3A_615 : vector<16xf32>
      %get3A_617 = arith.index_cast %scan3A_593 : i32 to index
      %get3A_618 = arith.constant 64 : index
      %get3A_619 = tpu.vector_load %arg6[%get3A_617, %get3A_618] {strides = array<i32>} : memref<50x128xf32, #tpu.memory_space<vmem>>, vector<16xf32>,
      %add3A_620 = arith.addf %scan3A_598, %get3A_619 : vector<16xf32>
      %get3A_621 = arith.index_cast %scan3A_593 : i32 to index
      %get3A_622 = arith.constant 80 : index
      %get3A_623 = tpu.vector_load %arg6[%get3A_621, %get3A_622] {strides = array<i32>} : memref<50x128xf32, #tpu.memory_space<vmem>>, vector<16xf32>,
      %add3A_624 = arith.addf %scan3A_599, %get3A_623 : vector<16xf32>
      %get3A_625 = arith.index_cast %scan3A_593 : i32 to index
      %get3A_626 = arith.constant 96 : index
      %get3A_627 = tpu.vector_load %arg6[%get3A_625, %get3A_626] {strides = array<i32>} : memref<50x128xf32, #tpu.memory_space<vmem>>, vector<16xf32>,
      %add3A_628 = arith.addf %scan3A_600, %get3A_627 : vector<16xf32>
      %get3A_629 = arith.index_cast %scan3A_593 : i32 to index
      %get3A_630 = arith.constant 112 : index
      %get3A_631 = tpu.vector_load %arg6[%get3A_629, %get3A_630] {strides = array<i32>} : memref<50x128xf32, #tpu.memory_space<vmem>>, vector<16xf32>,
      %add3A_632 = arith.addf %scan3A_601, %get3A_631 : vector<16xf32>
      scf.yield %add3A_604, %add3A_608, %add3A_612, %add3A_616, %add3A_620, %add3A_624, %add3A_628, %add3A_632 : vector<16xf32>, vector<16xf32>, vector<16xf32>, vector<16xf32>, vector<16xf32>, vector<16xf32>, vector<16xf32>, vector<16xf32>
    }
    %scan3A_575 = arith.constant 50 : i32
    %swap3A = arith.constant 0 : index
    %swap3A_576 = tpu.vector_load %arg7[%swap3A] {strides = array<i32>} : memref<128xf32, #tpu.memory_space<vmem>>, vector<16xf32>,
    tpu.vector_store %arg7[%swap3A], %scan3A_574#0 {strides = array<i32>} : memref<128xf32, #tpu.memory_space<vmem>>, vector<16xf32>,
    %swap3A_577 = arith.constant 16 : index
    %swap3A_578 = tpu.vector_load %arg7[%swap3A_577] {strides = array<i32>} : memref<128xf32, #tpu.memory_space<vmem>>, vector<16xf32>,
    tpu.vector_store %arg7[%swap3A_577], %scan3A_574#1 {strides = array<i32>} : memref<128xf32, #tpu.memory_space<vmem>>, vector<16xf32>,
    %swap3A_579 = arith.constant 32 : index
    %swap3A_580 = tpu.vector_load %arg7[%swap3A_579] {strides = array<i32>} : memref<128xf32, #tpu.memory_space<vmem>>, vector<16xf32>,
    tpu.vector_store %arg7[%swap3A_579], %scan3A_574#2 {strides = array<i32>} : memref<128xf32, #tpu.memory_space<vmem>>, vector<16xf32>,
    %swap3A_581 = arith.constant 48 : index
    %swap3A_582 = tpu.vector_load %arg7[%swap3A_581] {strides = array<i32>} : memref<128xf32, #tpu.memory_space<vmem>>, vector<16xf32>,
    tpu.vector_store %arg7[%swap3A_581], %scan3A_574#3 {strides = array<i32>} : memref<128xf32, #tpu.memory_space<vmem>>, vector<16xf32>,
    %swap3A_583 = arith.constant 64 : index
    %swap3A_584 = tpu.vector_load %arg7[%swap3A_583] {strides = array<i32>} : memref<128xf32, #tpu.memory_space<vmem>>, vector<16xf32>,
    tpu.vector_store %arg7[%swap3A_583], %scan3A_574#4 {strides = array<i32>} : memref<128xf32, #tpu.memory_space<vmem>>, vector<16xf32>,
    %swap3A_585 = arith.constant 80 : index
    %swap3A_586 = tpu.vector_load %arg7[%swap3A_585] {strides = array<i32>} : memref<128xf32, #tpu.memory_space<vmem>>, vector<16xf32>,
    tpu.vector_store %arg7[%swap3A_585], %scan3A_574#5 {strides = array<i32>} : memref<128xf32, #tpu.memory_space<vmem>>, vector<16xf32>,
    %swap3A_587 = arith.constant 96 : index
    %swap3A_588 = tpu.vector_load %arg7[%swap3A_587] {strides = array<i32>} : memref<128xf32, #tpu.memory_space<vmem>>, vector<16xf32>,
    tpu.vector_store %arg7[%swap3A_587], %scan3A_574#6 {strides = array<i32>} : memref<128xf32, #tpu.memory_space<vmem>>, vector<16xf32>,
    %swap3A_589 = arith.constant 112 : index
    %swap3A_590 = tpu.vector_load %arg7[%swap3A_589] {strides = array<i32>} : memref<128xf32, #tpu.memory_space<vmem>>, vector<16xf32>,
    tpu.vector_store %arg7[%swap3A_589], %scan3A_574#7 {strides = array<i32>} : memref<128xf32, #tpu.memory_space<vmem>>, vector<16xf32>,
    %mul3A_591 = arith.constant 128 : i32
    %mul3A_592 = arith.muli %add3A, %mul3A_591 : i32
    "tpu.region"() ({
      %run_scoped3A = tpu.sem_alloc : memref<!tpu.dma_semaphore, #tpu.memory_space<semaphore_mem>>
      %dma_start3A = tpu.memref_slice %arg4[%mul3A_592] : memref<4096xf32, #tpu.memory_space<hbm>> -> memref<128xf32, #tpu.memory_space<hbm>>
      %dma_start3A_593 = tpu.memref_slice %arg4[%mul3A_592] : memref<4096xf32, #tpu.memory_space<hbm>> -> memref<128xf32, #tpu.memory_space<hbm>>
      tpu.enqueue_dma source(%arg7 : memref<128xf32, #tpu.memory_space<vmem>>) target(%dma_start3A_593 : memref<128xf32, #tpu.memory_space<hbm>>) target_semaphore(%run_scoped3A : memref<!tpu.dma_semaphore, #tpu.memory_space<semaphore_mem>>)
      %dma_wait3A_594 = tpu.memref_slice %arg4[%mul3A_592] : memref<4096xf32, #tpu.memory_space<hbm>> -> memref<128xf32, #tpu.memory_space<hbm>>
      %dma_wait3A_595 = tpu.memref_slice %arg4[%mul3A_592] : memref<4096xf32, #tpu.memory_space<hbm>> -> memref<128xf32, #tpu.memory_space<hbm>>
      tpu.wait_dma2 semaphore(%run_scoped3A : memref<!tpu.dma_semaphore, #tpu.memory_space<semaphore_mem>>) src(%arg7 : memref<128xf32, #tpu.memory_space<vmem>>) dst(%dma_wait3A_595 : memref<128xf32, #tpu.memory_space<hbm>>)
      tpu.yield
    }) : () -> ()
    return
  }
}

module attributes {stable_mosaic.version = 14 : i64} {
  func.func @_proj_body(%arg0: i32, %arg1: memref<64x32768xf32, #tpu.memory_space<vmem>>, %arg2: memref<2x64xf32, #tpu.memory_space<vmem>>, %arg3: memref<50x4096xi32, #tpu.memory_space<vmem>>, %arg4: memref<32768xf32, #tpu.memory_space<vmem>>, %arg5: memref<50x32x128xi32, #tpu.memory_space<vmem>>) attributes {dimension_semantics = [#tpu.dimension_semantics<arbitrary>], iteration_bounds = array<i64: 31>, scalar_prefetch = 0 : i64, scratch_operands = 0 : i64, tpu.core_type = #tpu.core_type<tc>, window_params = [{transform_indices = @transform_0, window_bounds = array<i64: 64, 32768>}, {pipeline_mode = #tpu.pipeline_mode<synchronous>, transform_indices = @transform_1, window_bounds = array<i64: 2, 64>}, {pipeline_mode = #tpu.pipeline_mode<synchronous>, transform_indices = @transform_2, window_bounds = array<i64: 50, 4096>}, {transform_indices = @transform_3, window_bounds = array<i64: 32768>}, {pipeline_mode = #tpu.pipeline_mode<synchronous>, transform_indices = @transform_4, window_bounds = array<i64: 50, 32, 128>}]} {
    %get3A = arith.constant 1 : index
    %get3A_0 = arith.constant 0 : index
    %get3A_1 = vector.load %arg2[%get3A, %get3A_0] : memref<2x64xf32, #tpu.memory_space<vmem>>, vector<1x64xf32>
    %get3A_2 = vector.shape_cast %get3A_1 : vector<1x64xf32> to vector<64xf32>
    %get3A_3 = arith.constant 0 : index
    %get3A_4 = arith.constant 0 : index
    %get3A_5 = vector.load %arg2[%get3A_3, %get3A_4] : memref<2x64xf32, #tpu.memory_space<vmem>>, vector<1x64xf32>
    %get3A_6 = vector.shape_cast %get3A_5 : vector<1x64xf32> to vector<64xf32>
    %sub3A = arith.subf %get3A_2, %get3A_6 : vector<64xf32>
    %reshape3A = vector.shape_cast %sub3A : vector<64xf32> to vector<1x64xf32>
    %get3A_7 = arith.constant 0 : index
    %get3A_8 = arith.constant 0 : index
    %get3A_9 = vector.load %arg1[%get3A_7, %get3A_8] : memref<64x32768xf32, #tpu.memory_space<vmem>>, vector<64x32768xf32>
    %dot_general3A = arith.constant dense<0.000000e+00> : vector<1x32768xf32>
    %dot_general3A_10 = tpu.matmul %reshape3A, %get3A_9, %dot_general3A {dimension_numbers = #tpu.dot_dimension_numbers<[1], [0], [0], [1], [0, 0, 1, 1], [], []>, transpose_lhs_hint = false} : vector<1x64xf32>, vector<64x32768xf32>, vector<1x32768xf32> -> vector<1x32768xf32>
    %reshape3A_11 = vector.shape_cast %dot_general3A_10 : vector<1x32768xf32> to vector<32768xf32>
    %swap3A = arith.constant 0 : index
    %swap3A_12 = vector.load %arg4[%swap3A] : memref<32768xf32, #tpu.memory_space<vmem>>, vector<32768xf32>
    tpu.vector_store %arg4[%swap3A], %reshape3A_11 {strides = array<i32>} : memref<32768xf32, #tpu.memory_space<vmem>>, vector<32768xf32>,
    %eq3A = arith.constant 0 : i32
    %eq3A_13 = arith.cmpi eq, %arg0, %eq3A : i32
    %convert_element_type3A = arith.extui %eq3A_13 : i1 to i32
    %cond3A = arith.constant 0 : i32
    %cond3A_14 = arith.cmpi ne, %convert_element_type3A, %cond3A : i32
    scf.if %cond3A_14 {
      %get3A_15 = arith.constant 0 : index
      %get3A_16 = arith.constant 0 : index
      %get3A_17 = vector.load %arg3[%get3A_15, %get3A_16] : memref<50x4096xi32, #tpu.memory_space<vmem>>, vector<50x128xi32>
      %swap3A_18 = arith.constant 0 : index
      %swap3A_19 = arith.constant 0 : index
      %swap3A_20 = arith.constant 0 : index
      %swap3A_21 = vector.load %arg5[%swap3A_18, %swap3A_19, %swap3A_20] : memref<50x32x128xi32, #tpu.memory_space<vmem>>, vector<50x1x128xi32>
      %swap3A_22 = vector.shape_cast %swap3A_21 : vector<50x1x128xi32> to vector<50x128xi32>
      %swap3A_23 = vector.shape_cast %get3A_17 : vector<50x128xi32> to vector<50x1x128xi32>
      tpu.vector_store %arg5[%swap3A_18, %swap3A_19, %swap3A_20], %swap3A_23 {strides = array<i32>} : memref<50x32x128xi32, #tpu.memory_space<vmem>>, vector<50x1x128xi32>,
      %get3A_24 = arith.constant 0 : index
      %get3A_25 = arith.constant 128 : index
      %get3A_26 = vector.load %arg3[%get3A_24, %get3A_25] : memref<50x4096xi32, #tpu.memory_space<vmem>>, vector<50x128xi32>
      %swap3A_27 = arith.constant 0 : index
      %swap3A_28 = arith.constant 1 : index
      %swap3A_29 = arith.constant 0 : index
      %swap3A_30 = vector.load %arg5[%swap3A_27, %swap3A_28, %swap3A_29] : memref<50x32x128xi32, #tpu.memory_space<vmem>>, vector<50x1x128xi32>
      %swap3A_31 = vector.shape_cast %swap3A_30 : vector<50x1x128xi32> to vector<50x128xi32>
      %swap3A_32 = vector.shape_cast %get3A_26 : vector<50x128xi32> to vector<50x1x128xi32>
      tpu.vector_store %arg5[%swap3A_27, %swap3A_28, %swap3A_29], %swap3A_32 {strides = array<i32>} : memref<50x32x128xi32, #tpu.memory_space<vmem>>, vector<50x1x128xi32>,
      %get3A_33 = arith.constant 0 : index
      %get3A_34 = arith.constant 256 : index
      %get3A_35 = vector.load %arg3[%get3A_33, %get3A_34] : memref<50x4096xi32, #tpu.memory_space<vmem>>, vector<50x128xi32>
      %swap3A_36 = arith.constant 0 : index
      %swap3A_37 = arith.constant 2 : index
      %swap3A_38 = arith.constant 0 : index
      %swap3A_39 = vector.load %arg5[%swap3A_36, %swap3A_37, %swap3A_38] : memref<50x32x128xi32, #tpu.memory_space<vmem>>, vector<50x1x128xi32>
      %swap3A_40 = vector.shape_cast %swap3A_39 : vector<50x1x128xi32> to vector<50x128xi32>
      %swap3A_41 = vector.shape_cast %get3A_35 : vector<50x128xi32> to vector<50x1x128xi32>
      tpu.vector_store %arg5[%swap3A_36, %swap3A_37, %swap3A_38], %swap3A_41 {strides = array<i32>} : memref<50x32x128xi32, #tpu.memory_space<vmem>>, vector<50x1x128xi32>,
      %get3A_42 = arith.constant 0 : index
      %get3A_43 = arith.constant 384 : index
      %get3A_44 = vector.load %arg3[%get3A_42, %get3A_43] : memref<50x4096xi32, #tpu.memory_space<vmem>>, vector<50x128xi32>
      %swap3A_45 = arith.constant 0 : index
      %swap3A_46 = arith.constant 3 : index
      %swap3A_47 = arith.constant 0 : index
      %swap3A_48 = vector.load %arg5[%swap3A_45, %swap3A_46, %swap3A_47] : memref<50x32x128xi32, #tpu.memory_space<vmem>>, vector<50x1x128xi32>
      %swap3A_49 = vector.shape_cast %swap3A_48 : vector<50x1x128xi32> to vector<50x128xi32>
      %swap3A_50 = vector.shape_cast %get3A_44 : vector<50x128xi32> to vector<50x1x128xi32>
      tpu.vector_store %arg5[%swap3A_45, %swap3A_46, %swap3A_47], %swap3A_50 {strides = array<i32>} : memref<50x32x128xi32, #tpu.memory_space<vmem>>, vector<50x1x128xi32>,
      %get3A_51 = arith.constant 0 : index
      %get3A_52 = arith.constant 512 : index
      %get3A_53 = vector.load %arg3[%get3A_51, %get3A_52] : memref<50x4096xi32, #tpu.memory_space<vmem>>, vector<50x128xi32>
      %swap3A_54 = arith.constant 0 : index
      %swap3A_55 = arith.constant 4 : index
      %swap3A_56 = arith.constant 0 : index
      %swap3A_57 = vector.load %arg5[%swap3A_54, %swap3A_55, %swap3A_56] : memref<50x32x128xi32, #tpu.memory_space<vmem>>, vector<50x1x128xi32>
      %swap3A_58 = vector.shape_cast %swap3A_57 : vector<50x1x128xi32> to vector<50x128xi32>
      %swap3A_59 = vector.shape_cast %get3A_53 : vector<50x128xi32> to vector<50x1x128xi32>
      tpu.vector_store %arg5[%swap3A_54, %swap3A_55, %swap3A_56], %swap3A_59 {strides = array<i32>} : memref<50x32x128xi32, #tpu.memory_space<vmem>>, vector<50x1x128xi32>,
      %get3A_60 = arith.constant 0 : index
      %get3A_61 = arith.constant 640 : index
      %get3A_62 = vector.load %arg3[%get3A_60, %get3A_61] : memref<50x4096xi32, #tpu.memory_space<vmem>>, vector<50x128xi32>
      %swap3A_63 = arith.constant 0 : index
      %swap3A_64 = arith.constant 5 : index
      %swap3A_65 = arith.constant 0 : index
      %swap3A_66 = vector.load %arg5[%swap3A_63, %swap3A_64, %swap3A_65] : memref<50x32x128xi32, #tpu.memory_space<vmem>>, vector<50x1x128xi32>
      %swap3A_67 = vector.shape_cast %swap3A_66 : vector<50x1x128xi32> to vector<50x128xi32>
      %swap3A_68 = vector.shape_cast %get3A_62 : vector<50x128xi32> to vector<50x1x128xi32>
      tpu.vector_store %arg5[%swap3A_63, %swap3A_64, %swap3A_65], %swap3A_68 {strides = array<i32>} : memref<50x32x128xi32, #tpu.memory_space<vmem>>, vector<50x1x128xi32>,
      %get3A_69 = arith.constant 0 : index
      %get3A_70 = arith.constant 768 : index
      %get3A_71 = vector.load %arg3[%get3A_69, %get3A_70] : memref<50x4096xi32, #tpu.memory_space<vmem>>, vector<50x128xi32>
      %swap3A_72 = arith.constant 0 : index
      %swap3A_73 = arith.constant 6 : index
      %swap3A_74 = arith.constant 0 : index
      %swap3A_75 = vector.load %arg5[%swap3A_72, %swap3A_73, %swap3A_74] : memref<50x32x128xi32, #tpu.memory_space<vmem>>, vector<50x1x128xi32>
      %swap3A_76 = vector.shape_cast %swap3A_75 : vector<50x1x128xi32> to vector<50x128xi32>
      %swap3A_77 = vector.shape_cast %get3A_71 : vector<50x128xi32> to vector<50x1x128xi32>
      tpu.vector_store %arg5[%swap3A_72, %swap3A_73, %swap3A_74], %swap3A_77 {strides = array<i32>} : memref<50x32x128xi32, #tpu.memory_space<vmem>>, vector<50x1x128xi32>,
      %get3A_78 = arith.constant 0 : index
      %get3A_79 = arith.constant 896 : index
      %get3A_80 = vector.load %arg3[%get3A_78, %get3A_79] : memref<50x4096xi32, #tpu.memory_space<vmem>>, vector<50x128xi32>
      %swap3A_81 = arith.constant 0 : index
      %swap3A_82 = arith.constant 7 : index
      %swap3A_83 = arith.constant 0 : index
      %swap3A_84 = vector.load %arg5[%swap3A_81, %swap3A_82, %swap3A_83] : memref<50x32x128xi32, #tpu.memory_space<vmem>>, vector<50x1x128xi32>
      %swap3A_85 = vector.shape_cast %swap3A_84 : vector<50x1x128xi32> to vector<50x128xi32>
      %swap3A_86 = vector.shape_cast %get3A_80 : vector<50x128xi32> to vector<50x1x128xi32>
      tpu.vector_store %arg5[%swap3A_81, %swap3A_82, %swap3A_83], %swap3A_86 {strides = array<i32>} : memref<50x32x128xi32, #tpu.memory_space<vmem>>, vector<50x1x128xi32>,
      %get3A_87 = arith.constant 0 : index
      %get3A_88 = arith.constant 1024 : index
      %get3A_89 = vector.load %arg3[%get3A_87, %get3A_88] : memref<50x4096xi32, #tpu.memory_space<vmem>>, vector<50x128xi32>
      %swap3A_90 = arith.constant 0 : index
      %swap3A_91 = arith.constant 8 : index
      %swap3A_92 = arith.constant 0 : index
      %swap3A_93 = vector.load %arg5[%swap3A_90, %swap3A_91, %swap3A_92] : memref<50x32x128xi32, #tpu.memory_space<vmem>>, vector<50x1x128xi32>
      %swap3A_94 = vector.shape_cast %swap3A_93 : vector<50x1x128xi32> to vector<50x128xi32>
      %swap3A_95 = vector.shape_cast %get3A_89 : vector<50x128xi32> to vector<50x1x128xi32>
      tpu.vector_store %arg5[%swap3A_90, %swap3A_91, %swap3A_92], %swap3A_95 {strides = array<i32>} : memref<50x32x128xi32, #tpu.memory_space<vmem>>, vector<50x1x128xi32>,
      %get3A_96 = arith.constant 0 : index
      %get3A_97 = arith.constant 1152 : index
      %get3A_98 = vector.load %arg3[%get3A_96, %get3A_97] : memref<50x4096xi32, #tpu.memory_space<vmem>>, vector<50x128xi32>
      %swap3A_99 = arith.constant 0 : index
      %swap3A_100 = arith.constant 9 : index
      %swap3A_101 = arith.constant 0 : index
      %swap3A_102 = vector.load %arg5[%swap3A_99, %swap3A_100, %swap3A_101] : memref<50x32x128xi32, #tpu.memory_space<vmem>>, vector<50x1x128xi32>
      %swap3A_103 = vector.shape_cast %swap3A_102 : vector<50x1x128xi32> to vector<50x128xi32>
      %swap3A_104 = vector.shape_cast %get3A_98 : vector<50x128xi32> to vector<50x1x128xi32>
      tpu.vector_store %arg5[%swap3A_99, %swap3A_100, %swap3A_101], %swap3A_104 {strides = array<i32>} : memref<50x32x128xi32, #tpu.memory_space<vmem>>, vector<50x1x128xi32>,
      %get3A_105 = arith.constant 0 : index
      %get3A_106 = arith.constant 1280 : index
      %get3A_107 = vector.load %arg3[%get3A_105, %get3A_106] : memref<50x4096xi32, #tpu.memory_space<vmem>>, vector<50x128xi32>
      %swap3A_108 = arith.constant 0 : index
      %swap3A_109 = arith.constant 10 : index
      %swap3A_110 = arith.constant 0 : index
      %swap3A_111 = vector.load %arg5[%swap3A_108, %swap3A_109, %swap3A_110] : memref<50x32x128xi32, #tpu.memory_space<vmem>>, vector<50x1x128xi32>
      %swap3A_112 = vector.shape_cast %swap3A_111 : vector<50x1x128xi32> to vector<50x128xi32>
      %swap3A_113 = vector.shape_cast %get3A_107 : vector<50x128xi32> to vector<50x1x128xi32>
      tpu.vector_store %arg5[%swap3A_108, %swap3A_109, %swap3A_110], %swap3A_113 {strides = array<i32>} : memref<50x32x128xi32, #tpu.memory_space<vmem>>, vector<50x1x128xi32>,
      %get3A_114 = arith.constant 0 : index
      %get3A_115 = arith.constant 1408 : index
      %get3A_116 = vector.load %arg3[%get3A_114, %get3A_115] : memref<50x4096xi32, #tpu.memory_space<vmem>>, vector<50x128xi32>
      %swap3A_117 = arith.constant 0 : index
      %swap3A_118 = arith.constant 11 : index
      %swap3A_119 = arith.constant 0 : index
      %swap3A_120 = vector.load %arg5[%swap3A_117, %swap3A_118, %swap3A_119] : memref<50x32x128xi32, #tpu.memory_space<vmem>>, vector<50x1x128xi32>
      %swap3A_121 = vector.shape_cast %swap3A_120 : vector<50x1x128xi32> to vector<50x128xi32>
      %swap3A_122 = vector.shape_cast %get3A_116 : vector<50x128xi32> to vector<50x1x128xi32>
      tpu.vector_store %arg5[%swap3A_117, %swap3A_118, %swap3A_119], %swap3A_122 {strides = array<i32>} : memref<50x32x128xi32, #tpu.memory_space<vmem>>, vector<50x1x128xi32>,
      %get3A_123 = arith.constant 0 : index
      %get3A_124 = arith.constant 1536 : index
      %get3A_125 = vector.load %arg3[%get3A_123, %get3A_124] : memref<50x4096xi32, #tpu.memory_space<vmem>>, vector<50x128xi32>
      %swap3A_126 = arith.constant 0 : index
      %swap3A_127 = arith.constant 12 : index
      %swap3A_128 = arith.constant 0 : index
      %swap3A_129 = vector.load %arg5[%swap3A_126, %swap3A_127, %swap3A_128] : memref<50x32x128xi32, #tpu.memory_space<vmem>>, vector<50x1x128xi32>
      %swap3A_130 = vector.shape_cast %swap3A_129 : vector<50x1x128xi32> to vector<50x128xi32>
      %swap3A_131 = vector.shape_cast %get3A_125 : vector<50x128xi32> to vector<50x1x128xi32>
      tpu.vector_store %arg5[%swap3A_126, %swap3A_127, %swap3A_128], %swap3A_131 {strides = array<i32>} : memref<50x32x128xi32, #tpu.memory_space<vmem>>, vector<50x1x128xi32>,
      %get3A_132 = arith.constant 0 : index
      %get3A_133 = arith.constant 1664 : index
      %get3A_134 = vector.load %arg3[%get3A_132, %get3A_133] : memref<50x4096xi32, #tpu.memory_space<vmem>>, vector<50x128xi32>
      %swap3A_135 = arith.constant 0 : index
      %swap3A_136 = arith.constant 13 : index
      %swap3A_137 = arith.constant 0 : index
      %swap3A_138 = vector.load %arg5[%swap3A_135, %swap3A_136, %swap3A_137] : memref<50x32x128xi32, #tpu.memory_space<vmem>>, vector<50x1x128xi32>
      %swap3A_139 = vector.shape_cast %swap3A_138 : vector<50x1x128xi32> to vector<50x128xi32>
      %swap3A_140 = vector.shape_cast %get3A_134 : vector<50x128xi32> to vector<50x1x128xi32>
      tpu.vector_store %arg5[%swap3A_135, %swap3A_136, %swap3A_137], %swap3A_140 {strides = array<i32>} : memref<50x32x128xi32, #tpu.memory_space<vmem>>, vector<50x1x128xi32>,
      %get3A_141 = arith.constant 0 : index
      %get3A_142 = arith.constant 1792 : index
      %get3A_143 = vector.load %arg3[%get3A_141, %get3A_142] : memref<50x4096xi32, #tpu.memory_space<vmem>>, vector<50x128xi32>
      %swap3A_144 = arith.constant 0 : index
      %swap3A_145 = arith.constant 14 : index
      %swap3A_146 = arith.constant 0 : index
      %swap3A_147 = vector.load %arg5[%swap3A_144, %swap3A_145, %swap3A_146] : memref<50x32x128xi32, #tpu.memory_space<vmem>>, vector<50x1x128xi32>
      %swap3A_148 = vector.shape_cast %swap3A_147 : vector<50x1x128xi32> to vector<50x128xi32>
      %swap3A_149 = vector.shape_cast %get3A_143 : vector<50x128xi32> to vector<50x1x128xi32>
      tpu.vector_store %arg5[%swap3A_144, %swap3A_145, %swap3A_146], %swap3A_149 {strides = array<i32>} : memref<50x32x128xi32, #tpu.memory_space<vmem>>, vector<50x1x128xi32>,
      %get3A_150 = arith.constant 0 : index
      %get3A_151 = arith.constant 1920 : index
      %get3A_152 = vector.load %arg3[%get3A_150, %get3A_151] : memref<50x4096xi32, #tpu.memory_space<vmem>>, vector<50x128xi32>
      %swap3A_153 = arith.constant 0 : index
      %swap3A_154 = arith.constant 15 : index
      %swap3A_155 = arith.constant 0 : index
      %swap3A_156 = vector.load %arg5[%swap3A_153, %swap3A_154, %swap3A_155] : memref<50x32x128xi32, #tpu.memory_space<vmem>>, vector<50x1x128xi32>
      %swap3A_157 = vector.shape_cast %swap3A_156 : vector<50x1x128xi32> to vector<50x128xi32>
      %swap3A_158 = vector.shape_cast %get3A_152 : vector<50x128xi32> to vector<50x1x128xi32>
      tpu.vector_store %arg5[%swap3A_153, %swap3A_154, %swap3A_155], %swap3A_158 {strides = array<i32>} : memref<50x32x128xi32, #tpu.memory_space<vmem>>, vector<50x1x128xi32>,
      %get3A_159 = arith.constant 0 : index
      %get3A_160 = arith.constant 2048 : index
      %get3A_161 = vector.load %arg3[%get3A_159, %get3A_160] : memref<50x4096xi32, #tpu.memory_space<vmem>>, vector<50x128xi32>
      %swap3A_162 = arith.constant 0 : index
      %swap3A_163 = arith.constant 16 : index
      %swap3A_164 = arith.constant 0 : index
      %swap3A_165 = vector.load %arg5[%swap3A_162, %swap3A_163, %swap3A_164] : memref<50x32x128xi32, #tpu.memory_space<vmem>>, vector<50x1x128xi32>
      %swap3A_166 = vector.shape_cast %swap3A_165 : vector<50x1x128xi32> to vector<50x128xi32>
      %swap3A_167 = vector.shape_cast %get3A_161 : vector<50x128xi32> to vector<50x1x128xi32>
      tpu.vector_store %arg5[%swap3A_162, %swap3A_163, %swap3A_164], %swap3A_167 {strides = array<i32>} : memref<50x32x128xi32, #tpu.memory_space<vmem>>, vector<50x1x128xi32>,
      %get3A_168 = arith.constant 0 : index
      %get3A_169 = arith.constant 2176 : index
      %get3A_170 = vector.load %arg3[%get3A_168, %get3A_169] : memref<50x4096xi32, #tpu.memory_space<vmem>>, vector<50x128xi32>
      %swap3A_171 = arith.constant 0 : index
      %swap3A_172 = arith.constant 17 : index
      %swap3A_173 = arith.constant 0 : index
      %swap3A_174 = vector.load %arg5[%swap3A_171, %swap3A_172, %swap3A_173] : memref<50x32x128xi32, #tpu.memory_space<vmem>>, vector<50x1x128xi32>
      %swap3A_175 = vector.shape_cast %swap3A_174 : vector<50x1x128xi32> to vector<50x128xi32>
      %swap3A_176 = vector.shape_cast %get3A_170 : vector<50x128xi32> to vector<50x1x128xi32>
      tpu.vector_store %arg5[%swap3A_171, %swap3A_172, %swap3A_173], %swap3A_176 {strides = array<i32>} : memref<50x32x128xi32, #tpu.memory_space<vmem>>, vector<50x1x128xi32>,
      %get3A_177 = arith.constant 0 : index
      %get3A_178 = arith.constant 2304 : index
      %get3A_179 = vector.load %arg3[%get3A_177, %get3A_178] : memref<50x4096xi32, #tpu.memory_space<vmem>>, vector<50x128xi32>
      %swap3A_180 = arith.constant 0 : index
      %swap3A_181 = arith.constant 18 : index
      %swap3A_182 = arith.constant 0 : index
      %swap3A_183 = vector.load %arg5[%swap3A_180, %swap3A_181, %swap3A_182] : memref<50x32x128xi32, #tpu.memory_space<vmem>>, vector<50x1x128xi32>
      %swap3A_184 = vector.shape_cast %swap3A_183 : vector<50x1x128xi32> to vector<50x128xi32>
      %swap3A_185 = vector.shape_cast %get3A_179 : vector<50x128xi32> to vector<50x1x128xi32>
      tpu.vector_store %arg5[%swap3A_180, %swap3A_181, %swap3A_182], %swap3A_185 {strides = array<i32>} : memref<50x32x128xi32, #tpu.memory_space<vmem>>, vector<50x1x128xi32>,
      %get3A_186 = arith.constant 0 : index
      %get3A_187 = arith.constant 2432 : index
      %get3A_188 = vector.load %arg3[%get3A_186, %get3A_187] : memref<50x4096xi32, #tpu.memory_space<vmem>>, vector<50x128xi32>
      %swap3A_189 = arith.constant 0 : index
      %swap3A_190 = arith.constant 19 : index
      %swap3A_191 = arith.constant 0 : index
      %swap3A_192 = vector.load %arg5[%swap3A_189, %swap3A_190, %swap3A_191] : memref<50x32x128xi32, #tpu.memory_space<vmem>>, vector<50x1x128xi32>
      %swap3A_193 = vector.shape_cast %swap3A_192 : vector<50x1x128xi32> to vector<50x128xi32>
      %swap3A_194 = vector.shape_cast %get3A_188 : vector<50x128xi32> to vector<50x1x128xi32>
      tpu.vector_store %arg5[%swap3A_189, %swap3A_190, %swap3A_191], %swap3A_194 {strides = array<i32>} : memref<50x32x128xi32, #tpu.memory_space<vmem>>, vector<50x1x128xi32>,
      %get3A_195 = arith.constant 0 : index
      %get3A_196 = arith.constant 2560 : index
      %get3A_197 = vector.load %arg3[%get3A_195, %get3A_196] : memref<50x4096xi32, #tpu.memory_space<vmem>>, vector<50x128xi32>
      %swap3A_198 = arith.constant 0 : index
      %swap3A_199 = arith.constant 20 : index
      %swap3A_200 = arith.constant 0 : index
      %swap3A_201 = vector.load %arg5[%swap3A_198, %swap3A_199, %swap3A_200] : memref<50x32x128xi32, #tpu.memory_space<vmem>>, vector<50x1x128xi32>
      %swap3A_202 = vector.shape_cast %swap3A_201 : vector<50x1x128xi32> to vector<50x128xi32>
      %swap3A_203 = vector.shape_cast %get3A_197 : vector<50x128xi32> to vector<50x1x128xi32>
      tpu.vector_store %arg5[%swap3A_198, %swap3A_199, %swap3A_200], %swap3A_203 {strides = array<i32>} : memref<50x32x128xi32, #tpu.memory_space<vmem>>, vector<50x1x128xi32>,
      %get3A_204 = arith.constant 0 : index
      %get3A_205 = arith.constant 2688 : index
      %get3A_206 = vector.load %arg3[%get3A_204, %get3A_205] : memref<50x4096xi32, #tpu.memory_space<vmem>>, vector<50x128xi32>
      %swap3A_207 = arith.constant 0 : index
      %swap3A_208 = arith.constant 21 : index
      %swap3A_209 = arith.constant 0 : index
      %swap3A_210 = vector.load %arg5[%swap3A_207, %swap3A_208, %swap3A_209] : memref<50x32x128xi32, #tpu.memory_space<vmem>>, vector<50x1x128xi32>
      %swap3A_211 = vector.shape_cast %swap3A_210 : vector<50x1x128xi32> to vector<50x128xi32>
      %swap3A_212 = vector.shape_cast %get3A_206 : vector<50x128xi32> to vector<50x1x128xi32>
      tpu.vector_store %arg5[%swap3A_207, %swap3A_208, %swap3A_209], %swap3A_212 {strides = array<i32>} : memref<50x32x128xi32, #tpu.memory_space<vmem>>, vector<50x1x128xi32>,
      %get3A_213 = arith.constant 0 : index
      %get3A_214 = arith.constant 2816 : index
      %get3A_215 = vector.load %arg3[%get3A_213, %get3A_214] : memref<50x4096xi32, #tpu.memory_space<vmem>>, vector<50x128xi32>
      %swap3A_216 = arith.constant 0 : index
      %swap3A_217 = arith.constant 22 : index
      %swap3A_218 = arith.constant 0 : index
      %swap3A_219 = vector.load %arg5[%swap3A_216, %swap3A_217, %swap3A_218] : memref<50x32x128xi32, #tpu.memory_space<vmem>>, vector<50x1x128xi32>
      %swap3A_220 = vector.shape_cast %swap3A_219 : vector<50x1x128xi32> to vector<50x128xi32>
      %swap3A_221 = vector.shape_cast %get3A_215 : vector<50x128xi32> to vector<50x1x128xi32>
      tpu.vector_store %arg5[%swap3A_216, %swap3A_217, %swap3A_218], %swap3A_221 {strides = array<i32>} : memref<50x32x128xi32, #tpu.memory_space<vmem>>, vector<50x1x128xi32>,
      %get3A_222 = arith.constant 0 : index
      %get3A_223 = arith.constant 2944 : index
      %get3A_224 = vector.load %arg3[%get3A_222, %get3A_223] : memref<50x4096xi32, #tpu.memory_space<vmem>>, vector<50x128xi32>
      %swap3A_225 = arith.constant 0 : index
      %swap3A_226 = arith.constant 23 : index
      %swap3A_227 = arith.constant 0 : index
      %swap3A_228 = vector.load %arg5[%swap3A_225, %swap3A_226, %swap3A_227] : memref<50x32x128xi32, #tpu.memory_space<vmem>>, vector<50x1x128xi32>
      %swap3A_229 = vector.shape_cast %swap3A_228 : vector<50x1x128xi32> to vector<50x128xi32>
      %swap3A_230 = vector.shape_cast %get3A_224 : vector<50x128xi32> to vector<50x1x128xi32>
      tpu.vector_store %arg5[%swap3A_225, %swap3A_226, %swap3A_227], %swap3A_230 {strides = array<i32>} : memref<50x32x128xi32, #tpu.memory_space<vmem>>, vector<50x1x128xi32>,
      %get3A_231 = arith.constant 0 : index
      %get3A_232 = arith.constant 3072 : index
      %get3A_233 = vector.load %arg3[%get3A_231, %get3A_232] : memref<50x4096xi32, #tpu.memory_space<vmem>>, vector<50x128xi32>
      %swap3A_234 = arith.constant 0 : index
      %swap3A_235 = arith.constant 24 : index
      %swap3A_236 = arith.constant 0 : index
      %swap3A_237 = vector.load %arg5[%swap3A_234, %swap3A_235, %swap3A_236] : memref<50x32x128xi32, #tpu.memory_space<vmem>>, vector<50x1x128xi32>
      %swap3A_238 = vector.shape_cast %swap3A_237 : vector<50x1x128xi32> to vector<50x128xi32>
      %swap3A_239 = vector.shape_cast %get3A_233 : vector<50x128xi32> to vector<50x1x128xi32>
      tpu.vector_store %arg5[%swap3A_234, %swap3A_235, %swap3A_236], %swap3A_239 {strides = array<i32>} : memref<50x32x128xi32, #tpu.memory_space<vmem>>, vector<50x1x128xi32>,
      %get3A_240 = arith.constant 0 : index
      %get3A_241 = arith.constant 3200 : index
      %get3A_242 = vector.load %arg3[%get3A_240, %get3A_241] : memref<50x4096xi32, #tpu.memory_space<vmem>>, vector<50x128xi32>
      %swap3A_243 = arith.constant 0 : index
      %swap3A_244 = arith.constant 25 : index
      %swap3A_245 = arith.constant 0 : index
      %swap3A_246 = vector.load %arg5[%swap3A_243, %swap3A_244, %swap3A_245] : memref<50x32x128xi32, #tpu.memory_space<vmem>>, vector<50x1x128xi32>
      %swap3A_247 = vector.shape_cast %swap3A_246 : vector<50x1x128xi32> to vector<50x128xi32>
      %swap3A_248 = vector.shape_cast %get3A_242 : vector<50x128xi32> to vector<50x1x128xi32>
      tpu.vector_store %arg5[%swap3A_243, %swap3A_244, %swap3A_245], %swap3A_248 {strides = array<i32>} : memref<50x32x128xi32, #tpu.memory_space<vmem>>, vector<50x1x128xi32>,
      %get3A_249 = arith.constant 0 : index
      %get3A_250 = arith.constant 3328 : index
      %get3A_251 = vector.load %arg3[%get3A_249, %get3A_250] : memref<50x4096xi32, #tpu.memory_space<vmem>>, vector<50x128xi32>
      %swap3A_252 = arith.constant 0 : index
      %swap3A_253 = arith.constant 26 : index
      %swap3A_254 = arith.constant 0 : index
      %swap3A_255 = vector.load %arg5[%swap3A_252, %swap3A_253, %swap3A_254] : memref<50x32x128xi32, #tpu.memory_space<vmem>>, vector<50x1x128xi32>
      %swap3A_256 = vector.shape_cast %swap3A_255 : vector<50x1x128xi32> to vector<50x128xi32>
      %swap3A_257 = vector.shape_cast %get3A_251 : vector<50x128xi32> to vector<50x1x128xi32>
      tpu.vector_store %arg5[%swap3A_252, %swap3A_253, %swap3A_254], %swap3A_257 {strides = array<i32>} : memref<50x32x128xi32, #tpu.memory_space<vmem>>, vector<50x1x128xi32>,
      %get3A_258 = arith.constant 0 : index
      %get3A_259 = arith.constant 3456 : index
      %get3A_260 = vector.load %arg3[%get3A_258, %get3A_259] : memref<50x4096xi32, #tpu.memory_space<vmem>>, vector<50x128xi32>
      %swap3A_261 = arith.constant 0 : index
      %swap3A_262 = arith.constant 27 : index
      %swap3A_263 = arith.constant 0 : index
      %swap3A_264 = vector.load %arg5[%swap3A_261, %swap3A_262, %swap3A_263] : memref<50x32x128xi32, #tpu.memory_space<vmem>>, vector<50x1x128xi32>
      %swap3A_265 = vector.shape_cast %swap3A_264 : vector<50x1x128xi32> to vector<50x128xi32>
      %swap3A_266 = vector.shape_cast %get3A_260 : vector<50x128xi32> to vector<50x1x128xi32>
      tpu.vector_store %arg5[%swap3A_261, %swap3A_262, %swap3A_263], %swap3A_266 {strides = array<i32>} : memref<50x32x128xi32, #tpu.memory_space<vmem>>, vector<50x1x128xi32>,
      %get3A_267 = arith.constant 0 : index
      %get3A_268 = arith.constant 3584 : index
      %get3A_269 = vector.load %arg3[%get3A_267, %get3A_268] : memref<50x4096xi32, #tpu.memory_space<vmem>>, vector<50x128xi32>
      %swap3A_270 = arith.constant 0 : index
      %swap3A_271 = arith.constant 28 : index
      %swap3A_272 = arith.constant 0 : index
      %swap3A_273 = vector.load %arg5[%swap3A_270, %swap3A_271, %swap3A_272] : memref<50x32x128xi32, #tpu.memory_space<vmem>>, vector<50x1x128xi32>
      %swap3A_274 = vector.shape_cast %swap3A_273 : vector<50x1x128xi32> to vector<50x128xi32>
      %swap3A_275 = vector.shape_cast %get3A_269 : vector<50x128xi32> to vector<50x1x128xi32>
      tpu.vector_store %arg5[%swap3A_270, %swap3A_271, %swap3A_272], %swap3A_275 {strides = array<i32>} : memref<50x32x128xi32, #tpu.memory_space<vmem>>, vector<50x1x128xi32>,
      %get3A_276 = arith.constant 0 : index
      %get3A_277 = arith.constant 3712 : index
      %get3A_278 = vector.load %arg3[%get3A_276, %get3A_277] : memref<50x4096xi32, #tpu.memory_space<vmem>>, vector<50x128xi32>
      %swap3A_279 = arith.constant 0 : index
      %swap3A_280 = arith.constant 29 : index
      %swap3A_281 = arith.constant 0 : index
      %swap3A_282 = vector.load %arg5[%swap3A_279, %swap3A_280, %swap3A_281] : memref<50x32x128xi32, #tpu.memory_space<vmem>>, vector<50x1x128xi32>
      %swap3A_283 = vector.shape_cast %swap3A_282 : vector<50x1x128xi32> to vector<50x128xi32>
      %swap3A_284 = vector.shape_cast %get3A_278 : vector<50x128xi32> to vector<50x1x128xi32>
      tpu.vector_store %arg5[%swap3A_279, %swap3A_280, %swap3A_281], %swap3A_284 {strides = array<i32>} : memref<50x32x128xi32, #tpu.memory_space<vmem>>, vector<50x1x128xi32>,
      %get3A_285 = arith.constant 0 : index
      %get3A_286 = arith.constant 3840 : index
      %get3A_287 = vector.load %arg3[%get3A_285, %get3A_286] : memref<50x4096xi32, #tpu.memory_space<vmem>>, vector<50x128xi32>
      %swap3A_288 = arith.constant 0 : index
      %swap3A_289 = arith.constant 30 : index
      %swap3A_290 = arith.constant 0 : index
      %swap3A_291 = vector.load %arg5[%swap3A_288, %swap3A_289, %swap3A_290] : memref<50x32x128xi32, #tpu.memory_space<vmem>>, vector<50x1x128xi32>
      %swap3A_292 = vector.shape_cast %swap3A_291 : vector<50x1x128xi32> to vector<50x128xi32>
      %swap3A_293 = vector.shape_cast %get3A_287 : vector<50x128xi32> to vector<50x1x128xi32>
      tpu.vector_store %arg5[%swap3A_288, %swap3A_289, %swap3A_290], %swap3A_293 {strides = array<i32>} : memref<50x32x128xi32, #tpu.memory_space<vmem>>, vector<50x1x128xi32>,
      %get3A_294 = arith.constant 0 : index
      %get3A_295 = arith.constant 3968 : index
      %get3A_296 = vector.load %arg3[%get3A_294, %get3A_295] : memref<50x4096xi32, #tpu.memory_space<vmem>>, vector<50x128xi32>
      %swap3A_297 = arith.constant 0 : index
      %swap3A_298 = arith.constant 31 : index
      %swap3A_299 = arith.constant 0 : index
      %swap3A_300 = vector.load %arg5[%swap3A_297, %swap3A_298, %swap3A_299] : memref<50x32x128xi32, #tpu.memory_space<vmem>>, vector<50x1x128xi32>
      %swap3A_301 = vector.shape_cast %swap3A_300 : vector<50x1x128xi32> to vector<50x128xi32>
      %swap3A_302 = vector.shape_cast %get3A_296 : vector<50x128xi32> to vector<50x1x128xi32>
      tpu.vector_store %arg5[%swap3A_297, %swap3A_298, %swap3A_299], %swap3A_302 {strides = array<i32>} : memref<50x32x128xi32, #tpu.memory_space<vmem>>, vector<50x1x128xi32>,
    } else {
    }
    return
  }
  func.func @transform_0(%arg0: i32) -> (i32, i32) {
    %c0_i32 = arith.constant 0 : i32
    %c0_i32_0 = arith.constant 0 : i32
    return %c0_i32, %arg0 : i32, i32
  }
  func.func @transform_1(%arg0: i32) -> (i32, i32) {
    %c0_i32 = arith.constant 0 : i32
    %c0_i32_0 = arith.constant 0 : i32
    %c0_i32_1 = arith.constant 0 : i32
    return %c0_i32, %c0_i32_0 : i32, i32
  }
  func.func @transform_2(%arg0: i32) -> (i32, i32) {
    %c0_i32 = arith.constant 0 : i32
    %c0_i32_0 = arith.constant 0 : i32
    %c0_i32_1 = arith.constant 0 : i32
    return %c0_i32, %c0_i32_0 : i32, i32
  }
  func.func @transform_3(%arg0: i32) -> i32 {
    %c0_i32 = arith.constant 0 : i32
    return %arg0 : i32
  }
  func.func @transform_4(%arg0: i32) -> (i32, i32, i32) {
    %c0_i32 = arith.constant 0 : i32
    %c0_i32_0 = arith.constant 0 : i32
    %c0_i32_1 = arith.constant 0 : i32
    %c0_i32_2 = arith.constant 0 : i32
    return %c0_i32, %c0_i32_0, %c0_i32_1 : i32, i32, i32
  }
}

module attributes {stable_mosaic.version = 14 : i64} {
  func.func @_post_body(%arg0: memref<1x4096xf32, #tpu.memory_space<vmem>>, %arg1: memref<1x2xf32, #tpu.memory_space<vmem>>, %arg2: memref<2x64xf32, #tpu.memory_space<vmem>>, %arg3: memref<64x4096xf32, #tpu.memory_space<vmem>>, %arg4: memref<2x4096xf32, #tpu.memory_space<vmem>>) attributes {dimension_semantics = [], scalar_prefetch = 0 : i64, scratch_operands = 0 : i64, tpu.core_type = #tpu.core_type<tc>} {
    %get3A = arith.constant 0 : index
    %get3A_0 = arith.constant 0 : index
    %get3A_1 = vector.load %arg0[%get3A, %get3A_0] : memref<1x4096xf32, #tpu.memory_space<vmem>>, vector<1x4096xf32>
    %mul3A = arith.constant 2.000000e-02 : f32
    %mul3A_2 = vector.broadcast %mul3A : f32 to vector<1x4096xf32>
    %mul3A_3 = arith.mulf %get3A_1, %mul3A_2 : vector<1x4096xf32>
    %get3A_4 = arith.constant 0 : index
    %get3A_5 = arith.constant 1 : index
    %get3A_6 = vector.load %arg1[%get3A_4, %get3A_5] : memref<1x2xf32, #tpu.memory_space<vmem>>, vector<1x1xf32>
    %get3A_7 = vector.extract %get3A_6[0, 0] : f32 from vector<1x1xf32>
    %get3A_8 = arith.constant 0 : index
    %get3A_9 = arith.constant 0 : index
    %get3A_10 = vector.load %arg1[%get3A_8, %get3A_9] : memref<1x2xf32, #tpu.memory_space<vmem>>, vector<1x1xf32>
    %get3A_11 = vector.extract %get3A_10[0, 0] : f32 from vector<1x1xf32>
    %sub3A = arith.subf %get3A_7, %get3A_11 : f32
    %add3A = vector.broadcast %sub3A : f32 to vector<1x4096xf32>
    %add3A_12 = arith.addf %mul3A_3, %add3A : vector<1x4096xf32>
    %neg3A = arith.constant 0.000000e+00 : f32
    %neg3A_13 = vector.broadcast %neg3A : f32 to vector<1x4096xf32>
    %neg3A_14 = arith.subf %neg3A_13, %add3A_12 : vector<1x4096xf32>
    %exp3A = math.exp %neg3A_14 : vector<1x4096xf32>
    %add3A_15 = arith.constant 1.000000e+00 : f32
    %add3A_16 = vector.broadcast %add3A_15 : f32 to vector<1x4096xf32>
    %add3A_17 = arith.addf %add3A_16, %exp3A : vector<1x4096xf32>
    %div3A = arith.constant 1.000000e+00 : f32
    %div3A_18 = vector.broadcast %div3A : f32 to vector<1x4096xf32>
    %div3A_19 = arith.divf %div3A_18, %add3A_17 : vector<1x4096xf32>
    %sub3A_20 = arith.constant 1.000000e+00 : f32
    %sub3A_21 = vector.broadcast %sub3A_20 : f32 to vector<1x4096xf32>
    %sub3A_22 = arith.subf %sub3A_21, %div3A_19 : vector<1x4096xf32>
    %concatenate3A = tpu.concatenate %sub3A_22, %div3A_19 in 0 : vector<1x4096xf32>, vector<1x4096xf32> -> vector<2x4096xf32>
    %swap3A = arith.constant 0 : index
    %swap3A_23 = arith.constant 0 : index
    %swap3A_24 = vector.load %arg4[%swap3A, %swap3A_23] : memref<2x4096xf32, #tpu.memory_space<vmem>>, vector<2x4096xf32>
    tpu.vector_store %arg4[%swap3A, %swap3A_23], %concatenate3A {strides = array<i32>} : memref<2x4096xf32, #tpu.memory_space<vmem>>, vector<2x4096xf32>,
    %get3A_25 = arith.constant 0 : index
    %get3A_26 = arith.constant 0 : index
    %get3A_27 = vector.load %arg2[%get3A_25, %get3A_26] : memref<2x64xf32, #tpu.memory_space<vmem>>, vector<2x64xf32>
    %dot_general3A = arith.constant dense<0.000000e+00> : vector<64x4096xf32>
    %dot_general3A_28 = tpu.matmul %get3A_27, %concatenate3A, %dot_general3A {dimension_numbers = #tpu.dot_dimension_numbers<[0], [0], [1], [1], [0, 1, 1, 1], [], []>, transpose_lhs_hint = false} : vector<2x64xf32>, vector<2x4096xf32>, vector<64x4096xf32> -> vector<64x4096xf32>
    %swap3A_29 = arith.constant 0 : index
    %swap3A_30 = arith.constant 0 : index
    %swap3A_31 = vector.load %arg3[%swap3A_29, %swap3A_30] : memref<64x4096xf32, #tpu.memory_space<vmem>>, vector<64x4096xf32>
    tpu.vector_store %arg3[%swap3A_29, %swap3A_30], %dot_general3A_28 {strides = array<i32>} : memref<64x4096xf32, #tpu.memory_space<vmem>>, vector<64x4096xf32>,
    return
  }
}

</mosaic_0001>

<sc_bundles>
// kernel: kernel.5.cloned.1.call-start
scs
__scs_entry_jumppad:
0x0: {  	(pc) =	sbr.rel $0x88, $3  }
0x1: {  	(tag) =	ssettag $0x0;
	lr =	simm.s32 $0x1  }
0x2: {  	[smem:$0x3F9C] =	sst lr;
	_ =	strace $0xD0000000  }
0x3: {  	_ = 	snop  }
0x4: {  	_ = 	snop  }
0x5: {  	_ = 	snop  }
0x6: {  	_ = 	snop  }
0x7: {  	_ = 	snop  }
__scs_overlays_trampoline_lowered:
0x8: {  	[smem:$0x3FAB] =	sst s0  }
0x9: {  	[smem:$0x3FAC] =	sst s1  }
0xa: {  	[smem:$0x3FAD] =	sst s2  }
0xb: {  	[smem:$0x3FAE] =	sst s3  }
0xc: {  	[smem:$0x3FAF] =	sst s4  }
0xd: {  	[smem:$0x3FB0] =	sst s5  }
0xe: {  	[smem:$0x3FB1] =	sst s6  }
0xf: {  	[smem:$0x3FB2] =	sst s7  }
0x10: {  	[smem:$0x3FB3] =	sst s8  }
0x11: {  	[smem:$0x3FB4] =	sst s9;
	s0 =	simm.s32 @!p0 $0x0  }
0x12: {  	s1 =	sld [smem:$0x3F9A];
	s0 =	simm.s32 @p0 $0x1  }
0x13: {  	[smem:$0x3FB5] =	sst s0;
	s0 =	simm.s32 @!p1 $0x0  }
0x14: {  	s2 =	sld [smem:$0x3F99];
	s0 =	simm.s32 @p1 $0x1  }
0x15: {  	[smem:$0x3FB6] =	sst s0;
	s0 =	simm.s32 @!p2 $0x0  }
0x16: {  	s3 =	sld [smem:$0x3FDB];
	s0 =	simm.s32 @p2 $0x1  }
0x17: {  	s4 =	simm.s32 $0x1BF5;
	[smem:$0x3FB8] =	sst s0  }
0x18: {  	s0 =	sld [smem:$0x3F9B];
	_ =	swait.ge [sflag:s4], $0x0  }
0x19: {  	s7 =	sld [smem:$0x3F9C]  }
0x1a: {  	s8 =	sadd.s32 $0xFFFFE003, lr  }
0x1b: {  	s9 =	sadd.s32 $0xFFFFFEF7, lr;
	s5 =	simm.s32 $0xFFFFFFFF;
	p2 =	slt.u32 s8, $0xFFFFF086  }
0x1c: {  	p1 =	slt.u32 s9, $0xF7A;
	s5 =	simm.s32 @!p2 $0x0  }
0x1d: {  	s5 =	simm.s32 @p1 $0x1;
	p0 =	seq.s32 s7, s2  }
0x1e: {  	s7 =	smul.u32 @!p0 $0xF7A, s2;
	p2 =	seq.s32 @!p0 s5, $0x0  }
0x1f: {  	s9 =	smul.u32 $0xF7A, s1;
	s8 =	simm.s32 @!p0 $0x1BF5;
	p2 =	por !p2, p0  }
0x20: {  	[sflag:s8] =	ssyncset.s32 @!p0 $0xFFFFF086;
	s6 =	sadd.s32 @!p0 s3, s7;
	s7 =	simm.s32 @!p0 $0x108  }
0x21: {  	s3 =	sadd.s32 s3, s9;
	s6 =	sadd.s32 @!p0 $0x88, s6;
	s7 =	simm.s32 @p2 $0x1082  }
0x22: {  	[simem:s7], [sflag:s8] =	dma.local @!p0 [hbm:s6], $0xF7A  }
0x23: {  	s9 =	sor.u32 $0xD0000000, s2;
	s6 =	simm.s32 $0x108;
	_ =	swait.ge @!p0 [sflag:s8], $0x0  }
0x24: {  	s3 =	sadd.s32 $0x88, s3;
	s6 =	simm.s32 @!p1 $0x1082;
	[sflag:s4] =	ssyncset.s32 $0xFFFFF086  }
0x25: {  	[simem:s6], [sflag:s4] =	dma.local [hbm:s3], $0xF7A  }
0x26: {  	[smem:$0x3F9C] =	sst s1;
	(tag) =	ssettag s2;
	_ =	strace s9  }
0x27: {  	s1 =	sld [smem:$0x3FAC]  }
0x28: {  	s2 =	sld [smem:$0x3FAD]  }
0x29: {  	s4 =	sld [smem:$0x3FAF]  }
0x2a: {  	p0 =	seq.s32 s5, $0x0;
	s5 =	sld [smem:$0x3FB0]  }
0x2b: {  	s6 =	sld [smem:$0x3FB1]  }
0x2c: {  	s7 =	sld [smem:$0x3FB2]  }
0x2d: {  	s3 =	simm.s32 $0x108;
	s8 =	sld [smem:$0x3FB3]  }
0x2e: {  	s3 =	simm.s32 @!p0 $0x1082;
	s9 =	sld [smem:$0x3FB4]  }
0x2f: {  	lr =	sadd.s32 s0, s3;
	s0 =	sld [smem:$0x3FAB]  }
0x30: {  	s3 =	sld [smem:$0x3FAE]  }
0x31: {  	[smem:$0x3FB7] =	sst s10  }
0x32: {  	s10 =	sld [smem:$0x3FB5];
	_ =	sdelay $0x3  }
0x33: {  	p0 =	seq.s32 s10, $0x1;
	s10 =	sld [smem:$0x3FB7];
	_ =	sdelay $0x3  }
0x34: {  	[smem:$0x3FB7] =	sst s10  }
0x35: {  	s10 =	sld [smem:$0x3FB6];
	_ =	sdelay $0x3  }
0x36: {  	p1 =	seq.s32 s10, $0x1;
	s10 =	sld [smem:$0x3FB7];
	_ =	sdelay $0x3  }
0x37: {  	[smem:$0x3FB7] =	sst s10  }
0x38: {  	s10 =	sld [smem:$0x3FB8]  }
0x39: {  	_ = 	snop;
	(pc) =	sbr.ind lr, $3  }
0x3a: {  	_ = 	snop  }
0x3b: {  	_ = 	snop  }
0x3c: {  	p2 =	seq.s32 s10, $0x1;
	s10 =	sld [smem:$0x3FB7]  }
0x3d: {  	_ =	shalt  }
0x3e: {  	_ =	shalt  }
0x3f: {  	_ =	shalt  }
0x40: {  	_ =	shalt  }
0x41: {  	_ =	shalt  }
0x42: {  	_ =	shalt  }
0x43: {  	_ =	shalt  }
0x44: {  	_ =	shalt  }
0x45: {  	_ =	shalt  }
0x46: {  	_ =	shalt  }
0x47: {  	_ =	shalt  }
0x48: {  	_ =	shalt  }
0x49: {  	_ =	shalt  }
0x4a: {  	_ =	shalt  }
0x4b: {  	_ =	shalt  }
0x4c: {  	_ =	shalt  }
0x4d: {  	_ =	shalt  }
0x4e: {  	_ =	shalt  }
0x4f: {  	_ =	shalt  }
0x50: {  	_ =	shalt  }
0x51: {  	_ =	shalt  }
0x52: {  	_ =	shalt  }
0x53: {  	_ =	shalt  }
0x54: {  	_ =	shalt  }
0x55: {  	_ =	shalt  }
0x56: {  	_ =	shalt  }
0x57: {  	_ =	shalt  }
0x58: {  	_ =	shalt  }
0x59: {  	_ =	shalt  }
0x5a: {  	_ =	shalt  }
0x5b: {  	_ =	shalt  }
0x5c: {  	_ =	shalt  }
0x5d: {  	_ =	shalt  }
0x5e: {  	_ =	shalt  }
0x5f: {  	_ =	shalt  }
0x60: {  	_ =	shalt  }
0x61: {  	_ =	shalt  }
0x62: {  	_ =	shalt  }
0x63: {  	_ =	shalt  }
0x64: {  	_ =	shalt  }
0x65: {  	_ =	shalt  }
0x66: {  	_ =	shalt  }
0x67: {  	_ =	shalt  }
0x68: {  	_ =	shalt  }
0x69: {  	_ =	shalt  }
0x6a: {  	_ =	shalt  }
0x6b: {  	_ =	shalt  }
0x6c: {  	_ =	shalt  }
0x6d: {  	_ =	shalt  }
0x6e: {  	_ =	shalt  }
0x6f: {  	_ =	shalt  }
0x70: {  	_ =	shalt  }
0x71: {  	_ =	shalt  }
0x72: {  	_ =	shalt  }
0x73: {  	_ =	shalt  }
0x74: {  	_ =	shalt  }
0x75: {  	_ =	shalt  }
0x76: {  	_ =	shalt  }
0x77: {  	_ =	shalt  }
0x78: {  	_ =	shalt  }
0x79: {  	_ =	shalt  }
0x7a: {  	_ =	shalt  }
0x7b: {  	_ =	shalt  }
0x7c: {  	_ =	shalt  }
0x7d: {  	_ =	shalt  }
0x7e: {  	_ =	shalt  }
0x7f: {  	_ =	shalt  }
0x80: {  	_ =	shalt  }
0x81: {  	_ =	shalt  }
0x82: {  	_ =	shalt  }
0x83: {  	_ =	shalt  }
0x84: {  	_ =	shalt  }
0x85: {  	_ =	shalt  }
0x86: {  	_ =	shalt  }
0x87: {  	_ =	shalt  }
.Lfunc_end0:
.L_simem_size_0:
called_computation_lowered:
.L_overlay_start_0:
0x88: {  	s2 =	sld [smem:$0x3FD9]  }
0x89: {  	s3 =	sld [smem:$0x3FFE];
	_ =	sdelay $0x1  }
0x8a: {  	s1 =	srdreg.scid  }
0x8b: {  	s0 =	sand.u32 $0x1, s1  }
0x8c: {  	s14 =	sshll.u32 s0, $0xA;
	s2 =	sadd.s32 s3, s2  }
0x8d: {  	s2 =	sadd.s32 s2, s14  }
0x8e: {  	[smem:$0x3FC3] =	sst s2  }
0x8f: {  	_ = 	snop  }
0x90: {  	s2 =	sld [smem:$0x3FD0];
	_ =	sdelay $0x2  }
0x91: {  	s15 =	simm.s32 $0xA;
	s4 =	simm.s32 $0x10  }
0x92: {  	[smem:s4], [sflag:s15] =	dma.local [hbm:s2], $0x1  }
0x93: {  	_ =	swait.eq [sflag:s15], $0x1  }
0x94: {  	[sflag:s15] =	ssyncset.done $0x0  }
0x95: {  	s16 =	sld [smem:$0x10];
	[sflag:s15] =	ssyncadd.s32 $0xFFFFFFFF  }
0x96: {  	s17 =	sld [smem:$0x11];
	(tm) =	ssettm $0x1  }
0x97: {  	s18 =	sld [smem:$0x3FFB];
	_ =	sdelay $0x3  }
0x98: {  	_ =	strace s18  }
0x99: {  	s4 =	sld [smem:$0x3FFC];
	_ =	sdelay $0x3  }
0x9a: {  	_ =	strace s4  }
0x9b: {  	s4 =	sld [smem:$0x3FFD];
	_ =	sdelay $0x3  }
0x9c: {  	_ =	strace s4  }
0x9d: {  	_ =	strace $0x8FFFFFFF  }
0x9e: {  	s19 =	sld [smem:$0x3FDB];
	_ =	sdelay $0x1  }
0x9f: {  	s5 =	simm.s32 $_scs_section_size  }
0xa0: {  	s6 =	simm.s32 $_size__tile_overlayer_lowered;
	s7 =	simm.s32 $_tile_overlayer_lowered  }
0xa1: {  	s22 =	simm.s32 $0x1BFF;
	s21 =	sshll.u32 s7, $0x1;
	s4 =	sadd.s32 s5, s19  }
0xa2: {  	s8 =	simm.s32 $0x0;
	s20 =	sshll.u32 s6, $0x1;
	s6 =	sadd.s32 s21, s4  }
0xa3: {  	[timem:s8], [sflag:s22] =	dma.local [hbm:s6], s20  }
0xa4: {  	_ =	swait.ge [sflag:s22], s20  }
0xa5: {  	s5 =	ssub.s32 $0x0, s20;
	[sflag:s22] =	ssyncset.done $0x0  }
0xa6: {  	[sflag:s22] =	ssyncadd.s32 s5;
	_ =	sdelay $0x1  }
0xa7: {  	s23 =	simm.s32 $0x1B8B  }
0xa8: {  	_ =	swait.ge [sflag:s23], $0x1  }
0xa9: {  	[sflag:s23] =	ssyncset.done $0x0  }
0xaa: {  	s25 =	simm.s32 $0x1B8E;
	s24 =	sld [smem:$0x3FFE];
	[sflag:s23] =	ssyncadd.s32 $0xFFFFFFFF  }
0xab: {  	s26 =	simm.s32 $execute0_lowered;
	[smem:$0x3FD2] =	sst s25  }
0xac: {  	s6 =	sshll.u32 s26, $0x1;
	_ =	strace $0x80000046;
	[dreg:$0x1] =	wrdreg $0xFFFFFFFF  }
0xad: {  	s28 =	simm.s32 $_size_execute0_lowered;
	s4 =	sadd.s32 s4, s6;
	[dreg:$0x0] =	wrdreg $0x0  }
0xae: {  	s6 =	sshll.u32 s28, $0x1;
	[dreg:$0x2] =	wrdreg s4  }
0xaf: {  	[dreg:$0x3] =	wrdreg s6  }
0xb0: {  	[dreg:$0x4] =	wrdreg $0xC0  }
0xb1: {  	_ =	task [dreg:s8], $0x5FFFF  }
0xb2: {  	[dreg:$0x1] =	wrdreg $0xFFFFFFFF  }
0xb3: {  	[dreg:$0x0] =	wrdreg $0x60  }
0xb4: {  	[dreg:$0x2] =	wrdreg s16  }
0xb5: {  	[dreg:$0x3] =	wrdreg s24  }
0xb6: {  	[dreg:$0x4] =	wrdreg s17  }
0xb7: {  	[dreg:$0x5] =	wrdreg $0x9  }
0xb8: {  	_ =	task.clear_ibuf [dreg:s8], $0x6FFFF;
	_ =	strace $0x90000046  }
0xb9: {  	s29 =	simm.s32 $0x9;
	_ =	strace $0x80000048  }
0xba: {  	_ =	swait.ge [sflag:s29], $0x1  }
0xbb: {  	[sflag:s29] =	ssyncadd.s32 $0xFFFFFFFF  }
0xbc: {  	_ =	strace $0x90000048  }
0xbd: {  	_ =	sfence  }
0xbe: {  	s30 =	sld [smem:$0x0];
	_ =	sdelay $0x2  }
0xbf: {  	s31 =	sshll.u32 s1, $0xD;
	s1 =	sshrl.u32 s1, $0x2  }
0xc0: {  	s3 =	sand.u32 $0x4000, s31;
	s1 =	sadd.s32 s1, s30  }
0xc1: {  	s0 =	sor.u32 s3, s0;
	s1 =	sshll.u32 s1, $0x11  }
0xc2: {  	s0 =	sor.u32 s1, s0  }
0xc3: {  	s0 =	sadd.s32 $0x8F2B, s0  }
0xc4: {  	[sflag:s0] =	ssyncadd.remote.s32 $0x1  }
0xc5: {  	_ =	sfence.sel $0xFFFF  }
0xc6: {  	[dreg:$0x0] =	wrdreg $0xFFFFFFFF;
	(pc) =	sbr.abs _section_cstart, $3  }
0xc7: {  	[dreg:$0x1] =	wrdreg $0xFFFFFFFF  }
0xc8: {  	_ =	task.clear_ibuf [dreg:s8], $0x2FFFF;
	_ =	strace $0x9FFFFFFF  }
0xc9: {  	(tm) =	ssettm $0x7FFFFFFF  }
tec
execute0_lowered:
.L_overlay_start_1:
0x0: {  	(tag) =	ssettag $0x1  }
0x1: {  	s0 =	rddreg [dreg:$0x0]  }
0x2: {  	s1 =	rddreg [dreg:$0x1]  }
0x3: {  	s5 =	rddreg [dreg:$0x2];
	s2 =	simm.s32 $0x0  }
0x4: {  	s3 =	srdreg.scid;
	s6 =	stileid.u32;
	s8 =	simm.s32 $0x1000  }
0x5: {  	s9 =	simm.s32 $0x2;
	s20 =	simm.s32 $0x1480;
	s21 =	simm.s32 $0x2D80  }
0x6: {  	s22 =	simm.s32 $0x1500;
	s23 =	simm.s32 $0x2E00;
	s24 =	simm.s32 $0x1580  }
0x7: {  	s25 =	simm.s32 $0x2E80;
	s28 =	simm.s32 $0x2F00;
	s29 =	simm.s32 $0x1680  }
0x8: {  	s30 =	simm.s32 $0x2F80;
	s31 =	simm.s32 $0x1700;
	s10 =	simm.s32 $0x3080  }
0x9: {  	s11 =	simm.s32 $0x1800;
	s12 =	simm.s32 $0x3100;
	s13 =	simm.s32 $0x1880  }
0xa: {  	s14 =	simm.s32 $0x3180;
	s15 =	simm.s32 $0x1;
	s16 =	simm.s32 $0x3200  }
0xb: {  	s17 =	simm.s32 $0x0;
	[smem:$0x7FF] =	sst s2;
	s3 =	sand.u32 $0x1, s3  }
0xc: {  	s6 =	sshll.u32 s6, $0x5;
	s4 =	ssub.s32 $0x2, s3;
	s3 =	sshll.u32 s3, $0x4  }
0xd: {  	_ =	strace $0x80000047;
	s7 =	sshrl.u32 s4, $0x1;
	s6 =	sor.u32 s3, s6  }
0xe: {  	s3 =	sadd.s32 $0x1600, s1;
	s1 =	simm.s32 $0x1780;
	s26 =	ssub.s32 s4, s7  }
0xf: {  	s4 =	sadd.s32 s0, s6;
	s5 =	sadd.s32 s5, s6;
	s7 =	simm.s32 $0x80  }
0x10: {  	s0 =	simm.s32 $0x3000;
	s6 =	smax.u32 s26, $0x1;
	s26 =	simm.s32 $0x1600  }
.LBB2_1:
0x11: {  	[tilespmem:s2], [sflag:$0x2] =	stream.strided.gather [hbm4b:s4+s7], $0x1900, s8, s7, $0x38;
	[tilespmem:$0x3280] =	vst v63  }
0x12: {  	_ =	swait.ge [sflag:s9], $0x1900  }
0x13: {  	[sflag:s9] =	ssyncset.done $0x0  }
0x14: {  	s18 =	simm.s32 $0x1900;
	[sflag:s9] =	ssyncadd.s32 $0xFFFFE700  }
0x15: {  	[tilespmem:s18], [sflag:$0x1] =	stream.indirect.gather [hbm4b:s3+s7], $0x1, s2, s7, $0xb8;
	[tilespmem:$0x3280] =	vst v63  }
0x16: {  	s19 =	simm.s32 $0x1980  }
0x17: {  	[tilespmem:s19], [sflag:$0x1] =	stream.indirect.gather [hbm4b:s3+s7], $0x1, s7, s7, $0xb8;
	[tilespmem:$0x3280] =	vst v63  }
0x18: {  	s18 =	simm.s32 $0x100;
	s19 =	simm.s32 $0x1A00  }
0x19: {  	[tilespmem:s19], [sflag:$0x1] =	stream.indirect.gather [hbm4b:s3+s7], $0x1, s18, s7, $0xb8;
	[tilespmem:$0x3280] =	vst v63  }
0x1a: {  	s18 =	simm.s32 $0x180;
	s19 =	simm.s32 $0x1A80  }
0x1b: {  	[tilespmem:s19], [sflag:$0x1] =	stream.indirect.gather [hbm4b:s3+s7], $0x1, s18, s7, $0xb8;
	[tilespmem:$0x3280] =	vst v63  }
0x1c: {  	s18 =	simm.s32 $0x200;
	s19 =	simm.s32 $0x1B00  }
0x1d: {  	[tilespmem:s19], [sflag:$0x1] =	stream.indirect.gather [hbm4b:s3+s7], $0x1, s18, s7, $0xb8;
	[tilespmem:$0x3280] =	vst v63  }
0x1e: {  	s18 =	simm.s32 $0x280;
	s19 =	simm.s32 $0x1B80  }
0x1f: {  	[tilespmem:s19], [sflag:$0x1] =	stream.indirect.gather [hbm4b:s3+s7], $0x1, s18, s7, $0xb8;
	[tilespmem:$0x3280] =	vst v63  }
0x20: {  	s18 =	simm.s32 $0x300;
	s19 =	simm.s32 $0x1C00  }
0x21: {  	[tilespmem:s19], [sflag:$0x1] =	stream.indirect.gather [hbm4b:s3+s7], $0x1, s18, s7, $0xb8;
	[tilespmem:$0x3280] =	vst v63  }
0x22: {  	s18 =	simm.s32 $0x380;
	s19 =	simm.s32 $0x1C80  }
0x23: {  	[tilespmem:s19], [sflag:$0x1] =	stream.indirect.gather [hbm4b:s3+s7], $0x1, s18, s7, $0xb8;
	[tilespmem:$0x3280] =	vst v63  }
0x24: {  	s18 =	simm.s32 $0x400;
	s19 =	simm.s32 $0x1D00  }
0x25: {  	[tilespmem:s19], [sflag:$0x1] =	stream.indirect.gather [hbm4b:s3+s7], $0x1, s18, s7, $0xb8;
	[tilespmem:$0x3280] =	vst v63  }
0x26: {  	s18 =	simm.s32 $0x480;
	s19 =	simm.s32 $0x1D80  }
0x27: {  	[tilespmem:s19], [sflag:$0x1] =	stream.indirect.gather [hbm4b:s3+s7], $0x1, s18, s7, $0xb8;
	[tilespmem:$0x3280] =	vst v63  }
0x28: {  	s18 =	simm.s32 $0x500;
	s19 =	simm.s32 $0x1E00  }
0x29: {  	[tilespmem:s19], [sflag:$0x1] =	stream.indirect.gather [hbm4b:s3+s7], $0x1, s18, s7, $0xb8;
	[tilespmem:$0x3280] =	vst v63  }
0x2a: {  	s18 =	simm.s32 $0x580;
	s19 =	simm.s32 $0x1E80  }
0x2b: {  	[tilespmem:s19], [sflag:$0x1] =	stream.indirect.gather [hbm4b:s3+s7], $0x1, s18, s7, $0xb8;
	[tilespmem:$0x3280] =	vst v63  }
0x2c: {  	s18 =	simm.s32 $0x600;
	s19 =	simm.s32 $0x1F00  }
0x2d: {  	[tilespmem:s19], [sflag:$0x1] =	stream.indirect.gather [hbm4b:s3+s7], $0x1, s18, s7, $0xb8;
	[tilespmem:$0x3280] =	vst v63  }
0x2e: {  	s18 =	simm.s32 $0x680;
	s19 =	simm.s32 $0x1F80  }
0x2f: {  	[tilespmem:s19], [sflag:$0x1] =	stream.indirect.gather [hbm4b:s3+s7], $0x1, s18, s7, $0xb8;
	[tilespmem:$0x3280] =	vst v63  }
0x30: {  	s18 =	simm.s32 $0x700;
	s19 =	simm.s32 $0x2000  }
0x31: {  	[tilespmem:s19], [sflag:$0x1] =	stream.indirect.gather [hbm4b:s3+s7], $0x1, s18, s7, $0xb8;
	[tilespmem:$0x3280] =	vst v63  }
0x32: {  	s18 =	simm.s32 $0x780;
	s19 =	simm.s32 $0x2080  }
0x33: {  	[tilespmem:s19], [sflag:$0x1] =	stream.indirect.gather [hbm4b:s3+s7], $0x1, s18, s7, $0xb8;
	[tilespmem:$0x3280] =	vst v63  }
0x34: {  	s18 =	simm.s32 $0x800;
	s19 =	simm.s32 $0x2100  }
0x35: {  	[tilespmem:s19], [sflag:$0x1] =	stream.indirect.gather [hbm4b:s3+s7], $0x1, s18, s7, $0xb8;
	[tilespmem:$0x3280] =	vst v63  }
0x36: {  	s18 =	simm.s32 $0x880;
	s19 =	simm.s32 $0x2180  }
0x37: {  	[tilespmem:s19], [sflag:$0x1] =	stream.indirect.gather [hbm4b:s3+s7], $0x1, s18, s7, $0xb8;
	[tilespmem:$0x3280] =	vst v63  }
0x38: {  	s18 =	simm.s32 $0x900;
	s19 =	simm.s32 $0x2200  }
0x39: {  	[tilespmem:s19], [sflag:$0x1] =	stream.indirect.gather [hbm4b:s3+s7], $0x1, s18, s7, $0xb8;
	[tilespmem:$0x3280] =	vst v63  }
0x3a: {  	s18 =	simm.s32 $0x980;
	s19 =	simm.s32 $0x2280  }
0x3b: {  	[tilespmem:s19], [sflag:$0x1] =	stream.indirect.gather [hbm4b:s3+s7], $0x1, s18, s7, $0xb8;
	[tilespmem:$0x3280] =	vst v63  }
0x3c: {  	s18 =	simm.s32 $0xA00;
	s19 =	simm.s32 $0x2300  }
0x3d: {  	[tilespmem:s19], [sflag:$0x1] =	stream.indirect.gather [hbm4b:s3+s7], $0x1, s18, s7, $0xb8;
	[tilespmem:$0x3280] =	vst v63  }
0x3e: {  	s18 =	simm.s32 $0xA80;
	s19 =	simm.s32 $0x2380  }
0x3f: {  	[tilespmem:s19], [sflag:$0x1] =	stream.indirect.gather [hbm4b:s3+s7], $0x1, s18, s7, $0xb8;
	[tilespmem:$0x3280] =	vst v63  }
0x40: {  	s18 =	simm.s32 $0xB00;
	s19 =	simm.s32 $0x2400  }
0x41: {  	[tilespmem:s19], [sflag:$0x1] =	stream.indirect.gather [hbm4b:s3+s7], $0x1, s18, s7, $0xb8;
	[tilespmem:$0x3280] =	vst v63  }
0x42: {  	s18 =	simm.s32 $0xB80;
	s19 =	simm.s32 $0x2480  }
0x43: {  	[tilespmem:s19], [sflag:$0x1] =	stream.indirect.gather [hbm4b:s3+s7], $0x1, s18, s7, $0xb8;
	[tilespmem:$0x3280] =	vst v63  }
0x44: {  	s18 =	simm.s32 $0xC00;
	s19 =	simm.s32 $0x2500  }
0x45: {  	[tilespmem:s19], [sflag:$0x1] =	stream.indirect.gather [hbm4b:s3+s7], $0x1, s18, s7, $0xb8;
	[tilespmem:$0x3280] =	vst v63  }
0x46: {  	s18 =	simm.s32 $0xC80;
	s19 =	simm.s32 $0x2580  }
0x47: {  	[tilespmem:s19], [sflag:$0x1] =	stream.indirect.gather [hbm4b:s3+s7], $0x1, s18, s7, $0xb8;
	[tilespmem:$0x3280] =	vst v63  }
0x48: {  	s18 =	simm.s32 $0xD00;
	s19 =	simm.s32 $0x2600  }
0x49: {  	[tilespmem:s19], [sflag:$0x1] =	stream.indirect.gather [hbm4b:s3+s7], $0x1, s18, s7, $0xb8;
	[tilespmem:$0x3280] =	vst v63  }
0x4a: {  	s18 =	simm.s32 $0xD80;
	s19 =	simm.s32 $0x2680  }
0x4b: {  	[tilespmem:s19], [sflag:$0x1] =	stream.indirect.gather [hbm4b:s3+s7], $0x1, s18, s7, $0xb8;
	[tilespmem:$0x3280] =	vst v63  }
0x4c: {  	s18 =	simm.s32 $0xE00;
	s19 =	simm.s32 $0x2700  }
0x4d: {  	[tilespmem:s19], [sflag:$0x1] =	stream.indirect.gather [hbm4b:s3+s7], $0x1, s18, s7, $0xb8;
	[tilespmem:$0x3280] =	vst v63  }
0x4e: {  	s18 =	simm.s32 $0xE80;
	s19 =	simm.s32 $0x2780  }
0x4f: {  	[tilespmem:s19], [sflag:$0x1] =	stream.indirect.gather [hbm4b:s3+s7], $0x1, s18, s7, $0xb8;
	[tilespmem:$0x3280] =	vst v63  }
0x50: {  	s18 =	simm.s32 $0xF00;
	s19 =	simm.s32 $0x2800  }
0x51: {  	[tilespmem:s19], [sflag:$0x1] =	stream.indirect.gather [hbm4b:s3+s7], $0x1, s18, s7, $0xb8;
	[tilespmem:$0x3280] =	vst v63  }
0x52: {  	s18 =	simm.s32 $0xF80;
	s19 =	simm.s32 $0x2880  }
0x53: {  	[tilespmem:s19], [sflag:$0x1] =	stream.indirect.gather [hbm4b:s3+s7], $0x1, s18, s7, $0xb8;
	[tilespmem:$0x3280] =	vst v63  }
0x54: {  	s19 =	simm.s32 $0x2900  }
0x55: {  	[tilespmem:s19], [sflag:$0x1] =	stream.indirect.gather [hbm4b:s3+s7], $0x1, s8, s7, $0xb8;
	[tilespmem:$0x3280] =	vst v63  }
0x56: {  	s18 =	simm.s32 $0x1080;
	s19 =	simm.s32 $0x2980  }
0x57: {  	[tilespmem:s19], [sflag:$0x1] =	stream.indirect.gather [hbm4b:s3+s7], $0x1, s18, s7, $0xb8;
	[tilespmem:$0x3280] =	vst v63  }
0x58: {  	s18 =	simm.s32 $0x1100;
	s19 =	simm.s32 $0x2A00  }
0x59: {  	[tilespmem:s19], [sflag:$0x1] =	stream.indirect.gather [hbm4b:s3+s7], $0x1, s18, s7, $0xb8;
	[tilespmem:$0x3280] =	vst v63  }
0x5a: {  	s18 =	simm.s32 $0x1180;
	s19 =	simm.s32 $0x2A80  }
0x5b: {  	[tilespmem:s19], [sflag:$0x1] =	stream.indirect.gather [hbm4b:s3+s7], $0x1, s18, s7, $0xb8;
	[tilespmem:$0x3280] =	vst v63  }
0x5c: {  	s18 =	simm.s32 $0x1200;
	s19 =	simm.s32 $0x2B00  }
0x5d: {  	[tilespmem:s19], [sflag:$0x1] =	stream.indirect.gather [hbm4b:s3+s7], $0x1, s18, s7, $0xb8;
	[tilespmem:$0x3280] =	vst v63  }
0x5e: {  	s18 =	simm.s32 $0x1280;
	s19 =	simm.s32 $0x2B80  }
0x5f: {  	[tilespmem:s19], [sflag:$0x1] =	stream.indirect.gather [hbm4b:s3+s7], $0x1, s18, s7, $0xb8;
	[tilespmem:$0x3280] =	vst v63  }
0x60: {  	s18 =	simm.s32 $0x1300;
	s19 =	simm.s32 $0x2C00  }
0x61: {  	[tilespmem:s19], [sflag:$0x1] =	stream.indirect.gather [hbm4b:s3+s7], $0x1, s18, s7, $0xb8;
	[tilespmem:$0x3280] =	vst v63  }
0x62: {  	s18 =	simm.s32 $0x1380;
	s19 =	simm.s32 $0x2C80  }
0x63: {  	[tilespmem:s19], [sflag:$0x1] =	stream.indirect.gather [hbm4b:s3+s7], $0x1, s18, s7, $0xb8;
	[tilespmem:$0x3280] =	vst v63  }
0x64: {  	s18 =	simm.s32 $0x1400;
	s19 =	simm.s32 $0x2D00  }
0x65: {  	[tilespmem:s19], [sflag:$0x1] =	stream.indirect.gather [hbm4b:s3+s7], $0x1, s18, s7, $0xb8;
	[tilespmem:$0x3280] =	vst v63  }
0x66: {  	_ = 	snop  }
0x67: {  	[tilespmem:s21], [sflag:$0x1] =	stream.indirect.gather [hbm4b:s3+s7], $0x1, s20, s7, $0xb8;
	[tilespmem:$0x3280] =	vst v63  }
0x68: {  	_ = 	snop  }
0x69: {  	[tilespmem:s23], [sflag:$0x1] =	stream.indirect.gather [hbm4b:s3+s7], $0x1, s22, s7, $0xb8;
	[tilespmem:$0x3280] =	vst v63  }
0x6a: {  	_ = 	snop  }
0x6b: {  	[tilespmem:s25], [sflag:$0x1] =	stream.indirect.gather [hbm4b:s3+s7], $0x1, s24, s7, $0xb8;
	[tilespmem:$0x3280] =	vst v63  }
0x6c: {  	_ = 	snop  }
0x6d: {  	[tilespmem:s28], [sflag:$0x1] =	stream.indirect.gather [hbm4b:s3+s7], $0x1, s26, s7, $0xb8;
	[tilespmem:$0x3280] =	vst v63  }
0x6e: {  	_ = 	snop  }
0x6f: {  	[tilespmem:s30], [sflag:$0x1] =	stream.indirect.gather [hbm4b:s3+s7], $0x1, s29, s7, $0xb8;
	[tilespmem:$0x3280] =	vst v63  }
0x70: {  	_ = 	snop  }
0x71: {  	[tilespmem:s0], [sflag:$0x1] =	stream.indirect.gather [hbm4b:s3+s7], $0x1, s31, s7, $0xb8;
	[tilespmem:$0x3280] =	vst v63  }
0x72: {  	_ = 	snop  }
0x73: {  	[tilespmem:s10], [sflag:$0x1] =	stream.indirect.gather [hbm4b:s3+s7], $0x1, s1, s7, $0xb8;
	[tilespmem:$0x3280] =	vst v63  }
0x74: {  	_ = 	snop  }
0x75: {  	[tilespmem:s12], [sflag:$0x1] =	stream.indirect.gather [hbm4b:s3+s7], $0x1, s11, s7, $0xb8;
	[tilespmem:$0x3280] =	vst v63  }
0x76: {  	_ = 	snop  }
0x77: {  	[tilespmem:s14], [sflag:$0x1] =	stream.indirect.gather [hbm4b:s3+s7], $0x1, s13, s7, $0xb8;
	[tilespmem:$0x3280] =	vst v63  }
0x78: {  	_ =	swait.ge [sflag:s15], $0x80  }
0x79: {  	[sflag:s15] =	ssyncset.done $0x0  }
0x7a: {  	[sflag:s15] =	ssyncadd.s32 $0xFFFFFF80  }
0x7b: {  	_ =	swait.ge [sflag:s15], $0x80  }
0x7c: {  	[sflag:s15] =	ssyncset.done $0x0  }
0x7d: {  	[sflag:s15] =	ssyncadd.s32 $0xFFFFFF80  }
0x7e: {  	_ =	swait.ge [sflag:s15], $0x80  }
0x7f: {  	[sflag:s15] =	ssyncset.done $0x0  }
0x80: {  	[sflag:s15] =	ssyncadd.s32 $0xFFFFFF80  }
0x81: {  	_ =	swait.ge [sflag:s15], $0x80  }
0x82: {  	[sflag:s15] =	ssyncset.done $0x0  }
0x83: {  	[sflag:s15] =	ssyncadd.s32 $0xFFFFFF80  }
0x84: {  	_ =	swait.ge [sflag:s15], $0x80  }
0x85: {  	[sflag:s15] =	ssyncset.done $0x0  }
0x86: {  	[sflag:s15] =	ssyncadd.s32 $0xFFFFFF80  }
0x87: {  	_ =	swait.ge [sflag:s15], $0x80  }
0x88: {  	[sflag:s15] =	ssyncset.done $0x0  }
0x89: {  	[sflag:s15] =	ssyncadd.s32 $0xFFFFFF80  }
0x8a: {  	_ =	swait.ge [sflag:s15], $0x80  }
0x8b: {  	[sflag:s15] =	ssyncset.done $0x0  }
0x8c: {  	[sflag:s15] =	ssyncadd.s32 $0xFFFFFF80  }
0x8d: {  	_ =	swait.ge [sflag:s15], $0x80  }
0x8e: {  	[sflag:s15] =	ssyncset.done $0x0  }
0x8f: {  	[sflag:s15] =	ssyncadd.s32 $0xFFFFFF80  }
0x90: {  	_ =	swait.ge [sflag:s15], $0x80  }
0x91: {  	[sflag:s15] =	ssyncset.done $0x0  }
0x92: {  	[sflag:s15] =	ssyncadd.s32 $0xFFFFFF80  }
0x93: {  	_ =	swait.ge [sflag:s15], $0x80  }
0x94: {  	[sflag:s15] =	ssyncset.done $0x0  }
0x95: {  	[sflag:s15] =	ssyncadd.s32 $0xFFFFFF80  }
0x96: {  	_ =	swait.ge [sflag:s15], $0x80  }
0x97: {  	[sflag:s15] =	ssyncset.done $0x0  }
0x98: {  	[sflag:s15] =	ssyncadd.s32 $0xFFFFFF80  }
0x99: {  	_ =	swait.ge [sflag:s15], $0x80  }
0x9a: {  	[sflag:s15] =	ssyncset.done $0x0  }
0x9b: {  	[sflag:s15] =	ssyncadd.s32 $0xFFFFFF80  }
0x9c: {  	_ =	swait.ge [sflag:s15], $0x80  }
0x9d: {  	[sflag:s15] =	ssyncset.done $0x0  }
0x9e: {  	[sflag:s15] =	ssyncadd.s32 $0xFFFFFF80  }
0x9f: {  	_ =	swait.ge [sflag:s15], $0x80  }
0xa0: {  	[sflag:s15] =	ssyncset.done $0x0  }
0xa1: {  	[sflag:s15] =	ssyncadd.s32 $0xFFFFFF80  }
0xa2: {  	_ =	swait.ge [sflag:s15], $0x80  }
0xa3: {  	[sflag:s15] =	ssyncset.done $0x0  }
0xa4: {  	[sflag:s15] =	ssyncadd.s32 $0xFFFFFF80  }
0xa5: {  	_ =	swait.ge [sflag:s15], $0x80  }
0xa6: {  	[sflag:s15] =	ssyncset.done $0x0  }
0xa7: {  	[sflag:s15] =	ssyncadd.s32 $0xFFFFFF80  }
0xa8: {  	_ =	swait.ge [sflag:s15], $0x80  }
0xa9: {  	[sflag:s15] =	ssyncset.done $0x0  }
0xaa: {  	[sflag:s15] =	ssyncadd.s32 $0xFFFFFF80  }
0xab: {  	_ =	swait.ge [sflag:s15], $0x80  }
0xac: {  	[sflag:s15] =	ssyncset.done $0x0  }
0xad: {  	[sflag:s15] =	ssyncadd.s32 $0xFFFFFF80  }
0xae: {  	_ =	swait.ge [sflag:s15], $0x80  }
0xaf: {  	[sflag:s15] =	ssyncset.done $0x0  }
0xb0: {  	[sflag:s15] =	ssyncadd.s32 $0xFFFFFF80  }
0xb1: {  	_ =	swait.ge [sflag:s15], $0x80  }
0xb2: {  	[sflag:s15] =	ssyncset.done $0x0  }
0xb3: {  	[sflag:s15] =	ssyncadd.s32 $0xFFFFFF80  }
0xb4: {  	_ =	swait.ge [sflag:s15], $0x80  }
0xb5: {  	[sflag:s15] =	ssyncset.done $0x0  }
0xb6: {  	[sflag:s15] =	ssyncadd.s32 $0xFFFFFF80  }
0xb7: {  	_ =	swait.ge [sflag:s15], $0x80  }
0xb8: {  	[sflag:s15] =	ssyncset.done $0x0  }
0xb9: {  	[sflag:s15] =	ssyncadd.s32 $0xFFFFFF80  }
0xba: {  	_ =	swait.ge [sflag:s15], $0x80  }
0xbb: {  	[sflag:s15] =	ssyncset.done $0x0  }
0xbc: {  	[sflag:s15] =	ssyncadd.s32 $0xFFFFFF80  }
0xbd: {  	_ =	swait.ge [sflag:s15], $0x80  }
0xbe: {  	[sflag:s15] =	ssyncset.done $0x0  }
0xbf: {  	[sflag:s15] =	ssyncadd.s32 $0xFFFFFF80  }
0xc0: {  	_ =	swait.ge [sflag:s15], $0x80  }
0xc1: {  	[sflag:s15] =	ssyncset.done $0x0  }
0xc2: {  	[sflag:s15] =	ssyncadd.s32 $0xFFFFFF80  }
0xc3: {  	_ =	swait.ge [sflag:s15], $0x80  }
0xc4: {  	[sflag:s15] =	ssyncset.done $0x0  }
0xc5: {  	[sflag:s15] =	ssyncadd.s32 $0xFFFFFF80  }
0xc6: {  	_ =	swait.ge [sflag:s15], $0x80  }
0xc7: {  	[sflag:s15] =	ssyncset.done $0x0  }
0xc8: {  	[sflag:s15] =	ssyncadd.s32 $0xFFFFFF80  }
0xc9: {  	_ =	swait.ge [sflag:s15], $0x80  }
0xca: {  	[sflag:s15] =	ssyncset.done $0x0  }
0xcb: {  	[sflag:s15] =	ssyncadd.s32 $0xFFFFFF80  }
0xcc: {  	_ =	swait.ge [sflag:s15], $0x80  }
0xcd: {  	[sflag:s15] =	ssyncset.done $0x0  }
0xce: {  	[sflag:s15] =	ssyncadd.s32 $0xFFFFFF80  }
0xcf: {  	_ =	swait.ge [sflag:s15], $0x80  }
0xd0: {  	[sflag:s15] =	ssyncset.done $0x0  }
0xd1: {  	[sflag:s15] =	ssyncadd.s32 $0xFFFFFF80  }
0xd2: {  	_ =	swait.ge [sflag:s15], $0x80  }
0xd3: {  	[sflag:s15] =	ssyncset.done $0x0  }
0xd4: {  	[sflag:s15] =	ssyncadd.s32 $0xFFFFFF80  }
0xd5: {  	_ =	swait.ge [sflag:s15], $0x80  }
0xd6: {  	[sflag:s15] =	ssyncset.done $0x0  }
0xd7: {  	[sflag:s15] =	ssyncadd.s32 $0xFFFFFF80  }
0xd8: {  	_ =	swait.ge [sflag:s15], $0x80  }
0xd9: {  	[sflag:s15] =	ssyncset.done $0x0  }
0xda: {  	[sflag:s15] =	ssyncadd.s32 $0xFFFFFF80  }
0xdb: {  	_ =	swait.ge [sflag:s15], $0x80  }
0xdc: {  	[sflag:s15] =	ssyncset.done $0x0  }
0xdd: {  	[sflag:s15] =	ssyncadd.s32 $0xFFFFFF80  }
0xde: {  	_ =	swait.ge [sflag:s15], $0x80  }
0xdf: {  	[sflag:s15] =	ssyncset.done $0x0  }
0xe0: {  	[sflag:s15] =	ssyncadd.s32 $0xFFFFFF80  }
0xe1: {  	_ =	swait.ge [sflag:s15], $0x80  }
0xe2: {  	[sflag:s15] =	ssyncset.done $0x0  }
0xe3: {  	[sflag:s15] =	ssyncadd.s32 $0xFFFFFF80  }
0xe4: {  	_ =	swait.ge [sflag:s15], $0x80  }
0xe5: {  	[sflag:s15] =	ssyncset.done $0x0  }
0xe6: {  	[sflag:s15] =	ssyncadd.s32 $0xFFFFFF80  }
0xe7: {  	_ =	swait.ge [sflag:s15], $0x80  }
0xe8: {  	[sflag:s15] =	ssyncset.done $0x0  }
0xe9: {  	[sflag:s15] =	ssyncadd.s32 $0xFFFFFF80  }
0xea: {  	_ =	swait.ge [sflag:s15], $0x80  }
0xeb: {  	[sflag:s15] =	ssyncset.done $0x0  }
0xec: {  	[sflag:s15] =	ssyncadd.s32 $0xFFFFFF80  }
0xed: {  	_ =	swait.ge [sflag:s15], $0x80  }
0xee: {  	[sflag:s15] =	ssyncset.done $0x0  }
0xef: {  	[sflag:s15] =	ssyncadd.s32 $0xFFFFFF80  }
0xf0: {  	_ =	swait.ge [sflag:s15], $0x80  }
0xf1: {  	[sflag:s15] =	ssyncset.done $0x0  }
0xf2: {  	[sflag:s15] =	ssyncadd.s32 $0xFFFFFF80  }
0xf3: {  	_ =	swait.ge [sflag:s15], $0x80  }
0xf4: {  	[sflag:s15] =	ssyncset.done $0x0  }
0xf5: {  	[sflag:s15] =	ssyncadd.s32 $0xFFFFFF80  }
0xf6: {  	_ =	swait.ge [sflag:s15], $0x80  }
0xf7: {  	[sflag:s15] =	ssyncset.done $0x0  }
0xf8: {  	[sflag:s15] =	ssyncadd.s32 $0xFFFFFF80  }
0xf9: {  	_ =	swait.ge [sflag:s15], $0x80  }
0xfa: {  	[sflag:s15] =	ssyncset.done $0x0  }
0xfb: {  	[sflag:s15] =	ssyncadd.s32 $0xFFFFFF80  }
0xfc: {  	_ =	swait.ge [sflag:s15], $0x80  }
0xfd: {  	[sflag:s15] =	ssyncset.done $0x0  }
0xfe: {  	[sflag:s15] =	ssyncadd.s32 $0xFFFFFF80  }
0xff: {  	_ =	swait.ge [sflag:s15], $0x80  }
0x100: {  	[sflag:s15] =	ssyncset.done $0x0  }
0x101: {  	[sflag:s15] =	ssyncadd.s32 $0xFFFFFF80  }
0x102: {  	_ =	swait.ge [sflag:s15], $0x80  }
0x103: {  	[sflag:s15] =	ssyncset.done $0x0  }
0x104: {  	[sflag:s15] =	ssyncadd.s32 $0xFFFFFF80  }
0x105: {  	_ =	swait.ge [sflag:s15], $0x80  }
0x106: {  	[sflag:s15] =	ssyncset.done $0x0  }
0x107: {  	[sflag:s15] =	ssyncadd.s32 $0xFFFFFF80  }
0x108: {  	_ =	swait.ge [sflag:s15], $0x80  }
0x109: {  	[sflag:s15] =	ssyncset.done $0x0  }
0x10a: {  	[sflag:s15] =	ssyncadd.s32 $0xFFFFFF80  }
0x10b: {  	_ =	swait.ge [sflag:s15], $0x80  }
0x10c: {  	[sflag:s15] =	ssyncset.done $0x0  }
0x10d: {  	s19 =	simm.s32 $0x0;
	[sflag:s15] =	ssyncadd.s32 $0xFFFFFF80  }
0x10e: {  	v0 =	vld [tilespmem:s19+$0x1970]  }
0x10f: {  	v2 =	vld [tilespmem:s19+$0x1900]  }
0x110: {  	v3 =	vld [tilespmem:s19+$0x1910]  }
0x111: {  	v12 =	vld [tilespmem:s19+$0x1920]  }
0x112: {  	v10 =	vld [tilespmem:s19+$0x1930]  }
0x113: {  	v1 =	vimm.f32 $0.0e+00;
	v6 =	vimm.f32 $0.0e+00;
	v7 =	vld [tilespmem:s19+$0x1940]  }
0x114: {  	v8 =	vimm.f32 $0.0e+00;
	v4 =	vimm.f32 $0.0e+00;
	v9 =	vld [tilespmem:s19+$0x1950];
	v0 =	vadd.f32 v0, v1  }
0x115: {  	s18 =	simm.s32 $0x80;
	v11 =	vld [tilespmem:s19+$0x1960];
	s19 =	simm.s32 $0x400;
	v5 =	vadd.f32 v2, v1;
	v3 =	vadd.f32 v3, v1;
	v2 =	vimm.f32 $0.0e+00  }
.LBB2_2:
0x116: {  	p0 =	sne.s32 s19, $0x6200;
	v13 =	vld [tilespmem:s18+$0x1970];
	v1 =	vadd.f32 v12, v1  }
0x117: {  	v14 =	vld [tilespmem:s18+$0x1900];
	v6 =	vadd.f32 v10, v6  }
0x118: {  	v15 =	vld [tilespmem:s18+$0x1910];
	v8 =	vadd.f32 v7, v8  }
.Ltmp0:
0x119: {  	v12 =	vld [tilespmem:s18+$0x1920];
	v4 =	vadd.f32 v9, v4;
	(pc) =	sbr.rel @p0 .LBB2_2-.Ltmp0, $4  }
0x11a: {  	v10 =	vld [tilespmem:s18+$0x1930];
	v2 =	vadd.f32 v11, v2  }
0x11b: {  	v7 =	vld [tilespmem:s18+$0x1940];
	v0 =	vadd.f32 v13, v0  }
0x11c: {  	v5 =	vadd.f32 v14, v5;
	v9 =	vld [tilespmem:s18+$0x1950]  }
0x11d: {  	v3 =	vadd.f32 v15, v3;
	v11 =	vld [tilespmem:s18+$0x1960];
	s18 =	sshra.s32 s19, $0x2;
	s19 =	sadd.s32 $0x200, s19  }
0x11e: {  	v14 =	vld [tilespmem:s18+$0x1900]  }
0x11f: {  	v15 =	vld [tilespmem:s18+$0x1910]  }
0x120: {  	v16 =	vld [tilespmem:s18+$0x1920]  }
0x121: {  	v17 =	vld [tilespmem:s18+$0x1930]  }
0x122: {  	v18 =	vld [tilespmem:s18+$0x1940]  }
0x123: {  	v1 =	vadd.f32 v12, v1;
	v59 =	vld [tilespmem:s18+$0x1950];
	v5 =	vadd.f32 v14, v5  }
0x124: {  	v13 =	vld [tilespmem:s18+$0x1970];
	v6 =	vadd.f32 v10, v6;
	v3 =	vadd.f32 v15, v3  }
0x125: {  	v60 =	vld [tilespmem:s18+$0x1960];
	v7 =	vadd.f32 v7, v8;
	v1 =	vadd.f32 v16, v1;
	[tilespmem:$0x3200] =	vst v5  }
0x126: {  	v4 =	vadd.f32 v9, v4;
	v61 =	vadd.f32 v17, v6;
	[tilespmem:$0x3210] =	vst v3  }
0x127: {  	v62 =	vadd.f32 v18, v7;
	[tilespmem:$0x3220] =	vst v1  }
0x128: {  	v2 =	vadd.f32 v11, v2;
	v63 =	vadd.f32 v59, v4;
	[tilespmem:$0x3230] =	vst v61  }
0x129: {  	v0 =	vadd.f32 v13, v0;
	[tilespmem:$0x3240] =	vst v62  }
0x12a: {  	s17 =	sadd.s32 $0x1, s17;
	v2 =	vadd.f32 v60, v2;
	[tilespmem:$0x3250] =	vst v63  }
0x12b: {  	p0 =	sne.s32 s17, s6;
	[tilespmem:$0x3270] =	vst v0  }
.Ltmp1:
0x12c: {  	[tilespmem:$0x3260] =	vst v2;
	(pc) =	sbr.rel @p0 .LBB2_1-.Ltmp1, $4  }
0x12d: {  	[hbm4b:s5+s2] =	stream.linear.scatter [tilespmem:s16], [sflag:$0x2], $0x80, $0x38;
	[tilespmem:$0x3280] =	vst v63  }
0x12e: {  	_ =	swait.ge [sflag:s9], $0x80  }
0x12f: {  	[sflag:s9] =	ssyncset.done $0x0  }
0x130: {  	[sflag:s9] =	ssyncadd.s32 $0xFFFFFF80  }
0x131: {  	_ =	sfence.sel $0x180000  }
0x132: {  	[bflag:$0x0] =	sbarrier.arrive $0xFFFF  }
0x133: {  	_ =	strace $0x90000047  }
0x134: {  	s0 =	stileid.u32;
	[bflag:$0x2] =	sbarrier.arrive $0xFFFF  }
0x135: {  	p0 =	sne.s32 s0, $0x0;
	s0 =	rddreg [dreg:$0x3]  }
0x136: {  	s0 =	sadd.s32 @!p0 $0x100000, s0  }
0x137: {  	[sflag:s0] =	ssyncadd.tile.s32 @!p0 $0x1;
	_ =	shalt  }
.Lfunc_end2:
_tile_overlayer_lowered:
.L_overlay_start_2:
0x138: {  	(tag) =	ssettag $0x2  }
0x139: {  	s0 =	rddreg [dreg:$0x0];
	s2 =	stileid.u32  }
0x13a: {  	s1 =	rddreg [dreg:$0x1];
	p0 =	sne.s32 s2, $0x0  }
0x13b: {  	s3 =	rddreg [dreg:$0x2];
	[bflag:$0x3] =	sbarrier.arrive $0xFFFF;
	s2 =	simm.s32 @!p0 $0x1C02  }
0x13c: {  	[timem:s3], [sflag:s2] =	dma.local @!p0 [hbm:s0], s1  }
0x13d: {  	s0 =	simm.s32 @!p0 $0x2  }
0x13e: {  	_ =	swait.ge @!p0 [sflag:s0], s1  }
0x13f: {  	s1 =	ssub.s32 @!p0 $0x0, s1;
	[sflag:s0] =	ssyncset.done @!p0 $0x0  }
0x140: {  	[sflag:s0] =	ssyncadd.s32 @!p0 s1  }
0x141: {  	[bflag:$0x3] =	sbarrier.arrive $0xFFFF  }
0x142: {  	_ =	shalt  }

</sc_bundles>
